<compile_context>
chip_gen: v7x
topology: tpu7x:2x2x1
jax: 0.10.2.dev20260603
libtpu: 0.0.44.dev20260713+nightly
codegen_flags: <defaults>
</compile_context>

<pallas_src>
import functools

import jax
import jax.numpy as jnp
from jax import lax
from jax.experimental import pallas as pl
from jax.experimental.pallas import tpu as pltpu
from jax.experimental.pallas import tpu_sc as plsc

C = 256
N_ROIS = 1000
N_PAD = 1024
N_BINS = 49
N_TAPS = 4
TOT_TAPS = N_PAD * N_BINS * N_TAPS
TOT_ROWS = N_PAD * N_BINS
D_IN = C * N_BINS

_LVL_H = (192.0, 96.0, 48.0, 24.0)
_LVL_W = (320.0, 160.0, 80.0, 40.0)
_LVL_OFF = (0, 61440, 76800, 80640)
_TABLE_ROWS = 81600
_LVL_SCALE = (0.25, 0.125, 0.0625, 0.03125)


def _index_body(boxes_ref, i00, i01, i10, i11, w00, w01, w10, w11):
    b = boxes_ref[...]
    x1 = b[0:1, :]
    y1 = b[1:2, :]
    x2 = b[2:3, :]
    y2 = b[3:4, :]
    ws = jnp.maximum(x2 - x1, 0.0)
    hs = jnp.maximum(y2 - y1, 0.0)
    area = ws * hs
    lvlf = jnp.floor(4.0 + jnp.log2(jnp.sqrt(area) / 224.0 + 1e-8))
    lvl = jnp.clip(lvlf, 2.0, 5.0).astype(jnp.int32) - 2

    def sel(vals, dtype):
        out = jnp.full(lvl.shape, vals[3], dtype)
        for l in (2, 1, 0):
            out = jnp.where(lvl == l, jnp.asarray(vals[l], dtype), out)
        return out

    scale = sel(_LVL_SCALE, jnp.float32)
    Hf = sel(_LVL_H, jnp.float32)
    Wf = sel(_LVL_W, jnp.float32)
    off = sel(_LVL_OFF, jnp.int32)
    Wi = Wf.astype(jnp.int32)

    x1s = x1 * scale - 0.5
    y1s = y1 * scale - 0.5
    x2s = x2 * scale - 0.5
    y2s = y2 * scale - 0.5
    bw = (x2s - x1s) / 7.0
    bh = (y2s - y1s) / 7.0

    shape = (N_BINS, N_PAD)
    ibf = lax.broadcasted_iota(jnp.int32, shape, 0).astype(jnp.float32)
    iyw = jnp.floor(ibf * (1.0 / 7.0))
    iy = iyw + 0.5
    ix = (ibf - 7.0 * iyw) + 0.5
    yy = y1s + iy * bh
    xx = x1s + ix * bw
    valid = (yy > -1.0) & (yy < Hf) & (xx > -1.0) & (xx < Wf)
    y = jnp.clip(yy, 0.0, Hf - 1.0)
    x = jnp.clip(xx, 0.0, Wf - 1.0)
    y0f = jnp.floor(y)
    x0f = jnp.floor(x)
    y1f = jnp.minimum(y0f + 1.0, Hf - 1.0)
    x1f = jnp.minimum(x0f + 1.0, Wf - 1.0)
    ly = y - y0f
    lx = x - x0f
    vf = valid.astype(jnp.float32)
    w00[...] = (1.0 - ly) * (1.0 - lx) * vf
    w01[...] = (1.0 - ly) * lx * vf
    w10[...] = ly * (1.0 - lx) * vf
    w11[...] = ly * lx * vf
    y0i = y0f.astype(jnp.int32)
    x0i = x0f.astype(jnp.int32)
    y1i = y1f.astype(jnp.int32)
    x1i = x1f.astype(jnp.int32)
    i00[...] = off + y0i * Wi + x0i
    i01[...] = off + y0i * Wi + x1i
    i10[...] = off + y1i * Wi + x0i
    i11[...] = off + y1i * Wi + x1i


def _compute_indices(boxes_pT):
    sh_i = jax.ShapeDtypeStruct((N_BINS, N_PAD), jnp.int32)
    sh_f = jax.ShapeDtypeStruct((N_BINS, N_PAD), jnp.float32)
    return pl.pallas_call(
        _index_body,
        out_shape=(sh_i, sh_i, sh_i, sh_i, sh_f, sh_f, sh_f, sh_f),
    )(boxes_pT)


_NW = 32
_RPW = TOT_TAPS // _NW
_CH = 64


def _sc_gather(table, idx, n_taps, nbuf):
    rpw = n_taps // _NW
    nch = rpw // _CH
    mesh = plsc.VectorSubcoreMesh(core_axis_name="c", subcore_axis_name="s")

    @functools.partial(
        pl.kernel,
        out_type=jax.ShapeDtypeStruct((n_taps, C // 2), jnp.int32),
        mesh=mesh,
        scratch_types=[
            pltpu.VMEM((rpw,), jnp.int32),
            [pltpu.VMEM((_CH, C // 2), jnp.int32)] * nbuf,
            [pltpu.SemaphoreType.DMA] * nbuf,
        ],
    )
    def gk(table_hbm, idx_hbm, out_hbm, idx_v, bufs, sems):
        wid = lax.axis_index("s") * 2 + lax.axis_index("c")
        base = pl.multiple_of(wid * rpw, 8)
        pltpu.sync_copy(idx_hbm.at[pl.ds(base, rpw)], idx_v)

        def start(c, j):
            off = pl.multiple_of(c * _CH, 8)
            pltpu.async_copy(
                table_hbm.at[idx_v.at[pl.ds(off, _CH)]], bufs[j], sems[j])

        def finish(c, j):
            off = pl.multiple_of(c * _CH, 8)
            pltpu.make_async_copy(
                table_hbm.at[idx_v.at[pl.ds(off, _CH)]], bufs[j],
                sems[j]).wait()
            dst = pl.multiple_of(base + c * _CH, 8)
            pltpu.sync_copy(bufs[j], out_hbm.at[pl.ds(dst, _CH)])

        for j in range(nbuf):
            start(j, j)

        def body(g, carry):
            for j in range(nbuf):
                c = g * nbuf + j
                finish(c, j)
                start(c + nbuf, j)
            return carry

        lax.fori_loop(0, nch // nbuf - 1, body, 0)
        for j in range(nbuf):
            finish(nch - nbuf + j, j)

    return gk(table, idx)


def _tpose_body(f_ref, out_ref):
    xb = f_ref[...].astype(jnp.bfloat16)
    lo = lax.bitcast_convert_type(xb[:C // 2, :], jnp.uint16).astype(
        jnp.uint32)
    hi = lax.bitcast_convert_type(xb[C // 2:, :], jnp.uint16).astype(
        jnp.uint32)
    w = lax.bitcast_convert_type(lo | (hi << 16), jnp.int32)
    out_ref[...] = w.T


def _tpose_pack(fm, blk):
    hw = fm.shape[1]
    return pl.pallas_call(
        _tpose_body,
        grid=(hw // blk,),
        in_specs=[pl.BlockSpec((C, blk), lambda i: (0, i))],
        out_specs=pl.BlockSpec((blk, C // 2), lambda i: (i, 0)),
        out_shape=jax.ShapeDtypeStruct((hw, C // 2), jnp.int32),
    )(fm)


_WBLK = 4096


def _weight_body(g_ref, w_ref, out_ref):
    ylo = jnp.zeros((N_PAD, C // 2), jnp.float32)
    yhi = jnp.zeros((N_PAD, C // 2), jnp.float32)
    for t in range(N_TAPS):
        g = g_ref[t]
        w = w_ref[:, t:t + 1]
        ylo += w * lax.bitcast_convert_type(g << 16, jnp.float32)
        yhi += w * lax.bitcast_convert_type(
            g & jnp.int32(-65536), jnp.float32)
    out_ref[...] = jnp.concatenate(
        [ylo, yhi], axis=1).astype(jnp.bfloat16)


def _weight_reduce(gathered, wts4):
    g3 = gathered.reshape(N_TAPS, TOT_ROWS, C // 2)
    return pl.pallas_call(
        _weight_body,
        grid=(N_BINS,),
        in_specs=[
            pl.BlockSpec((N_TAPS, N_PAD, C // 2), lambda i: (0, i, 0)),
            pl.BlockSpec((N_PAD, N_TAPS), lambda i: (i, 0)),
        ],
        out_specs=pl.BlockSpec((N_PAD, C), lambda i: (i, 0)),
        out_shape=jax.ShapeDtypeStruct((TOT_ROWS, C), jnp.bfloat16),
    )(g3, wts4)


_KB = 1792
_NKB = D_IN // _KB


def _fc1_body(nb, g_ref, w4_ref, w1_ref, out_ref, acc_ref):
    k = pl.program_id(0)
    w4 = w4_ref[:, 0, 0, :].T
    ylo = jnp.zeros((N_PAD, C // 2), jnp.float32)
    yhi = jnp.zeros((N_PAD, C // 2), jnp.float32)
    for t in range(N_TAPS):
        g = g_ref[t, 0]
        w = w4[:, t:t + 1]
        ylo += w * lax.bitcast_convert_type(g << 16, jnp.float32)
        yhi += w * lax.bitcast_convert_type(
            g & jnp.int32(-65536), jnp.float32)
    x = jnp.concatenate([ylo, yhi], axis=1).astype(jnp.bfloat16)
    w1b = w1_ref[:, 0].reshape(C, 1024).astype(jnp.bfloat16)
    part = jnp.dot(x, w1b, preferred_element_type=jnp.float32)

    @pl.when(k == 0)
    def _():
        acc_ref[...] = part

    @pl.when(k > 0)
    def _():
        acc_ref[...] = acc_ref[...] + part

    @pl.when(k == nb - 1)
    def _():
        out_ref[...] = acc_ref[...]


def _fc1(g4, wts_cat, W14, nb, off):
    return pl.pallas_call(
        functools.partial(_fc1_body, nb),
        grid=(nb,),
        in_specs=[
            pl.BlockSpec((N_TAPS, 1, N_PAD, C // 2), lambda k: (0, k, 0, 0)),
            pl.BlockSpec((N_TAPS, 1, 1, N_PAD),
                         lambda k: (0, k + off, 0, 0)),
            pl.BlockSpec((C, 1, 8, 128), lambda k: (0, k + off, 0, 0)),
        ],
        out_specs=pl.BlockSpec((N_PAD, 1024), lambda k: (0, 0)),
        out_shape=jax.ShapeDtypeStruct((N_PAD, 1024), jnp.float32),
        scratch_shapes=[pltpu.VMEM((N_PAD, 1024), jnp.float32)],
        compiler_params=pltpu.CompilerParams(
            dimension_semantics=("arbitrary",)),
    )(g4, wts_cat, W14)


def _head_body(a_ref, b_ref, b1_ref, w2_ref, b2_ref, wc_ref, bc_ref,
               wd_ref, bd_ref, cls_ref, dlt_ref):
    h1 = jnp.maximum(a_ref[...] + b_ref[...] + b1_ref[...], 0.0)
    h1b = h1.astype(jnp.bfloat16)
    h2 = jnp.maximum(
        jnp.dot(h1b, w2_ref[...].astype(jnp.bfloat16),
                preferred_element_type=jnp.float32)
        + b2_ref[...], 0.0)
    h2b = h2.astype(jnp.bfloat16)
    cls_ref[...] = jnp.dot(
        h2b, wc_ref[...].astype(jnp.bfloat16),
        preferred_element_type=jnp.float32) + bc_ref[...]
    dlt_ref[...] = jnp.dot(
        h2b, wd_ref[...].astype(jnp.bfloat16),
        preferred_element_type=jnp.float32) + bd_ref[...]


def _head(acc_a, acc_b, b1, W2, b2, Wcp, bcp, Wdp, bdp):
    return pl.pallas_call(
        _head_body,
        out_shape=(
            jax.ShapeDtypeStruct((N_PAD, 128), jnp.float32),
            jax.ShapeDtypeStruct((N_PAD, 384), jnp.float32),
        ),
    )(acc_a, acc_b, b1, W2, b2, Wcp, bcp, Wdp, bdp)


def kernel(fm0, fm1, fm2, fm3, fm4, rcnn_rois, W1, b1, W2, b2, Wc, bc, Wd, bd):
    table = jnp.concatenate([
        _tpose_pack(fm4[0].reshape(C, -1), 1920),
        _tpose_pack(fm3[0].reshape(C, -1), 1920),
        _tpose_pack(fm2[0].reshape(C, -1), 1920),
        _tpose_pack(fm1[0].reshape(C, -1), 960),
    ], axis=0)

    boxes_pT = jnp.concatenate(
        [rcnn_rois[:, 1:5], jnp.zeros((N_PAD - N_ROIS, 4), jnp.float32)],
        axis=0).T

    i00, i01, i10, i11, w00, w01, w10, w11 = _compute_indices(boxes_pT)
    nba, nbb = 24, N_BINS - 24
    idx_a = jnp.concatenate(
        [i00[:nba].reshape(-1), i01[:nba].reshape(-1),
         i10[:nba].reshape(-1), i11[:nba].reshape(-1)])
    idx_b = jnp.concatenate(
        [i00[nba:].reshape(-1), i01[nba:].reshape(-1),
         i10[nba:].reshape(-1), i11[nba:].reshape(-1)])
    wts_cat = jnp.stack([w00, w01, w10, w11], axis=0).reshape(
        N_TAPS, N_BINS, 1, N_PAD)

    gathered_a = _sc_gather(table, idx_a, N_TAPS * nba * N_PAD, 4)
    gathered_b = _sc_gather(table, idx_b, N_TAPS * nbb * N_PAD, 5)
    g4_a = gathered_a.reshape(N_TAPS, nba, N_PAD, C // 2)
    g4_b = gathered_b.reshape(N_TAPS, nbb, N_PAD, C // 2)

    W14 = W1.reshape(C, N_BINS, 8, 128)
    Wcp = jnp.pad(Wc, ((0, 0), (0, 128 - 81)))
    bcp = jnp.pad(bc, (0, 128 - 81)).reshape(1, 128)
    Wdp = jnp.pad(Wd, ((0, 0), (0, 384 - 324)))
    bdp = jnp.pad(bd, (0, 384 - 324)).reshape(1, 384)

    acc_a = _fc1(g4_a, wts_cat, W14, nba, 0)
    acc_b = _fc1(g4_b, wts_cat, W14, nbb, nba)
    cls, dlt = _head(acc_a, acc_b, b1.reshape(1, 1024), W2,
                     b2.reshape(1, 1024), Wcp, bcp, Wdp, bdp)
    return cls[:N_ROIS, :81], dlt[:N_ROIS, :324]

# --- scband reference (transcript-rebuilt; emitter-appended) ---
"""Pipeline reference for scband-network-70128226009792 (READ-ONLY COPY).

The authoritative reference and input builder live on the scoring server;
editing this copy changes nothing except your own understanding.
"""

import jax, jax.numpy as jnp
import numpy as np

NUM_CLASSES = 81
IMG_H, IMG_W = 768, 1280
N_ROIS = 1000
C = 256


def setup_inputs(seed: int = 0):
    key = jax.random.key(seed)
    ks = jax.random.split(key, 16)
    shapes = {"fm0": (1, C, 12, 20), "fm1": (1, C, 24, 40), "fm2": (1, C, 48, 80), "fm3": (1, C, 96, 160), "fm4": (1, C, 192, 320)}
    fms = {}
    for i, (name, sh) in enumerate(shapes.items()):
        fms[name] = jax.random.normal(ks[i], sh, dtype=jnp.float32)
    x1 = jax.random.uniform(ks[5], (N_ROIS,), minval=0.0, maxval=IMG_W - 64.0)
    y1 = jax.random.uniform(ks[6], (N_ROIS,), minval=0.0, maxval=IMG_H - 64.0)
    bw = jax.random.uniform(ks[7], (N_ROIS,), minval=16.0, maxval=384.0)
    bh = jax.random.uniform(ks[8], (N_ROIS,), minval=16.0, maxval=384.0)
    x2 = jnp.minimum(x1 + bw, IMG_W - 1.0)
    y2 = jnp.minimum(y1 + bh, IMG_H - 1.0)
    rois = jnp.stack([jnp.zeros((N_ROIS,)), x1, y1, x2, y2], axis=1).astype(jnp.float32)
    d_in = C * 7 * 7
    W1 = jax.random.normal(ks[9], (d_in, 1024), dtype=jnp.float32) * 0.01
    b1 = jnp.zeros((1024,), jnp.float32)
    W2 = jax.random.normal(ks[10], (1024, 1024), dtype=jnp.float32) * 0.02
    b2 = jnp.zeros((1024,), jnp.float32)
    Wc = jax.random.normal(ks[11], (1024, NUM_CLASSES), dtype=jnp.float32) * 0.01
    bc = jnp.zeros((NUM_CLASSES,), jnp.float32)
    Wd = jax.random.normal(ks[12], (1024, NUM_CLASSES * 4), dtype=jnp.float32) * 0.001
    bd = jnp.zeros((NUM_CLASSES * 4,), jnp.float32)
    out = dict(fms)
    out.update({"rcnn_rois": rois, "W1": W1, "b1": b1, "W2": W2, "b2": b2, "Wc": Wc, "bc": bc, "Wd": Wd, "bd": bd})
    return out


def _assign_levels(boxes):
    ws = jnp.maximum(boxes[:, 2] - boxes[:, 0], 0.0)
    hs = jnp.maximum(boxes[:, 3] - boxes[:, 1], 0.0)
    areas = ws * hs
    lvl = jnp.floor(4.0 + jnp.log2(jnp.sqrt(areas) / 224.0 + 1e-8))
    lvl = jnp.clip(lvl, 2, 5).astype(jnp.int32) - 2
    return lvl


def _roi_align_level(fm, boxes, scale):
    # fm: [C, H, W]; boxes: [K, 4] xyxy in image coords; aligned=True, 1 sample per bin center
    Cc, H, W = fm.shape
    K = boxes.shape[0]
    b = boxes * scale - 0.5
    x1, y1, x2, y2 = b[:, 0], b[:, 1], b[:, 2], b[:, 3]
    bw = (x2 - x1) / 7.0
    bh = (y2 - y1) / 7.0
    ph = jnp.arange(7, dtype=jnp.float32) + 0.5
    ys = y1[:, None] + ph[None, :] * bh[:, None]
    xs = x1[:, None] + ph[None, :] * bw[:, None]
    yy = jnp.broadcast_to(ys[:, :, None], (K, 7, 7))
    xx = jnp.broadcast_to(xs[:, None, :], (K, 7, 7))
    valid = (yy > -1.0) & (yy < H) & (xx > -1.0) & (xx < W)
    y = jnp.clip(yy, 0.0, H - 1.0)
    x = jnp.clip(xx, 0.0, W - 1.0)
    y0 = jnp.floor(y)
    x0 = jnp.floor(x)
    y1i = jnp.minimum(y0 + 1.0, H - 1.0)
    x1i = jnp.minimum(x0 + 1.0, W - 1.0)
    ly = (y - y0).reshape(-1)
    lx = (x - x0).reshape(-1)
    fmf = fm.reshape(Cc, H * W)
    def g(yi, xi):
        idx = (yi * W + xi).astype(jnp.int32).reshape(-1)
        return jnp.take(fmf, idx, axis=1)
    v00 = g(y0, x0)
    v01 = g(y0, x1i)
    v10 = g(y1i, x0)
    v11 = g(y1i, x1i)
    val = v00 * (1.0 - ly) * (1.0 - lx) + v01 * (1.0 - ly) * lx + v10 * ly * (1.0 - lx) + v11 * ly * lx
    val = jnp.where(valid.reshape(1, -1), val, 0.0)
    return val.reshape(Cc, K, 7, 7).transpose(1, 0, 2, 3)


def reference(fm0, fm1, fm2, fm3, fm4, rcnn_rois, W1, b1, W2, b2, Wc, bc, Wd, bd):
    # fpn_fms = [fm0..fm4]; fpn_fms[1:][::-1] -> [fm4(s4), fm3(s8), fm2(s16), fm1(s32)]
    strides = [4, 8, 16, 32]
    fms = [fm4, fm3, fm2, fm1]
    boxes_j = rcnn_rois[:, 1:5]
    lvl = _assign_levels(boxes_j)
    N = rcnn_rois.shape[0]
    pool = jnp.zeros((N, C, 7, 7), jnp.float32)
    for level in range(4):
        pf = _roi_align_level(fms[level][0], boxes_j, 1.0 / strides[level])
        mask = (lvl == level)[:, None, None, None]
        pool = jnp.where(mask, pf, pool)
    flat = pool.reshape(N, -1)
    h = jax.nn.relu(flat @ W1 + b1)
    h = jax.nn.relu(h @ W2 + b2)
    pred_cls = h @ Wc + bc
    pred_delta = h @ Wd + bd
    return pred_cls, pred_delta

if __name__ == "__main__":
    import jax
    _d = setup_inputs()
    print(jax.jit(kernel)(*tuple(_d.values())))

</pallas_src>

<mosaic_0001>
#map = affine_map<(d0, d1) -> (0, 0)>
#map1 = affine_map<(d0, d1) -> (0)>
module attributes {stable_mosaic.version = 14 : i64} {
  func.func @gk(%arg0: i32, %arg1: i32, %arg2: memref<81600x128xi32, #tpu.memory_space<hbm>>, %arg3: memref<98304xi32, #tpu.memory_space<hbm>>, %arg4: memref<98304x128xi32, #tpu.memory_space<hbm>>, %arg5: memref<3072xi32, #tpu.memory_space<vmem>>, %arg6: memref<64x128xi32, #tpu.memory_space<vmem>>, %arg7: memref<64x128xi32, #tpu.memory_space<vmem>>, %arg8: memref<64x128xi32, #tpu.memory_space<vmem>>, %arg9: memref<64x128xi32, #tpu.memory_space<vmem>>, %arg10: memref<!tpu.dma_semaphore, #tpu.memory_space<semaphore_mem>>, %arg11: memref<!tpu.dma_semaphore, #tpu.memory_space<semaphore_mem>>, %arg12: memref<!tpu.dma_semaphore, #tpu.memory_space<semaphore_mem>>, %arg13: memref<!tpu.dma_semaphore, #tpu.memory_space<semaphore_mem>>) attributes {dimension_semantics = [#tpu.dimension_semantics<core_parallel>, #tpu.dimension_semantics<subcore_parallel>], iteration_bounds = array<i64: 2, 16>, scalar_prefetch = 0 : i64, scratch_operands = 9 : i64, tpu.core_type = #tpu.core_type<sc_vector_subcore>, window_params = [{transform_indices = #map}, {transform_indices = #map1}, {transform_indices = #map}]} {
    %mul3A = arith.constant 2 : i32
    %mul3A_0 = arith.muli %arg1, %mul3A : i32
    %add3A = arith.addi %mul3A_0, %arg0 : i32
    %mul3A_1 = arith.constant 3072 : i32
    %mul3A_2 = arith.muli %add3A, %mul3A_1 : i32
    %multiple_of3A = tpu.assume_multiple %mul3A_2, 8 : i32
    "tpu.region"() ({
      %run_scoped3A = tpu.sem_alloc : memref<!tpu.dma_semaphore, #tpu.memory_space<semaphore_mem>>
      %dma_start3A_66 = tpu.memref_slice %arg3[%multiple_of3A] : memref<98304xi32, #tpu.memory_space<hbm>> -> memref<3072xi32, #tpu.memory_space<hbm>>
      %dma_start3A_67 = tpu.memref_slice %arg3[%multiple_of3A] : memref<98304xi32, #tpu.memory_space<hbm>> -> memref<3072xi32, #tpu.memory_space<hbm>>
      tpu.enqueue_dma source(%dma_start3A_67 : memref<3072xi32, #tpu.memory_space<hbm>>) target(%arg5 : memref<3072xi32, #tpu.memory_space<vmem>>) target_semaphore(%run_scoped3A : memref<!tpu.dma_semaphore, #tpu.memory_space<semaphore_mem>>)
      %dma_wait3A_68 = tpu.memref_slice %arg3[%multiple_of3A] : memref<98304xi32, #tpu.memory_space<hbm>> -> memref<3072xi32, #tpu.memory_space<hbm>>
      %dma_wait3A_69 = tpu.memref_slice %arg3[%multiple_of3A] : memref<98304xi32, #tpu.memory_space<hbm>> -> memref<3072xi32, #tpu.memory_space<hbm>>
      tpu.wait_dma2 semaphore(%run_scoped3A : memref<!tpu.dma_semaphore, #tpu.memory_space<semaphore_mem>>) src(%dma_wait3A_69 : memref<3072xi32, #tpu.memory_space<hbm>>) dst(%arg5 : memref<3072xi32, #tpu.memory_space<vmem>>)
      tpu.yield
    }) : () -> ()
    %multiple_of3A_3 = arith.constant 0 : i32
    %multiple_of3A_4 = tpu.assume_multiple %multiple_of3A_3, 8 : i32
    %dma_start3A = tpu.memref_slice %arg5[%multiple_of3A_4] : memref<3072xi32, #tpu.memory_space<vmem>> -> memref<64xi32, #tpu.memory_space<vmem>>
    %dma_start3A_5 = arith.constant 0 : i32
    %dma_start3A_6 = arith.constant 0 : i32
    %dma_start3A_7 = tpu.memref_slice %arg2[%dma_start3A_5, %dma_start3A_6] : memref<81600x128xi32, #tpu.memory_space<hbm>> -> memref<81600x128xi32, #tpu.memory_space<hbm>>
    tpu.enqueue_indirect_dma source(%dma_start3A_7 : memref<81600x128xi32, #tpu.memory_space<hbm>>) target(%arg6 : memref<64x128xi32, #tpu.memory_space<vmem>>) offsets(%dma_start3A : memref<64xi32, #tpu.memory_space<vmem>>) semaphore(%arg10 : memref<!tpu.dma_semaphore, #tpu.memory_space<semaphore_mem>>)
    %multiple_of3A_8 = arith.constant 64 : i32
    %multiple_of3A_9 = tpu.assume_multiple %multiple_of3A_8, 8 : i32
    %dma_start3A_10 = tpu.memref_slice %arg5[%multiple_of3A_9] : memref<3072xi32, #tpu.memory_space<vmem>> -> memref<64xi32, #tpu.memory_space<vmem>>
    %dma_start3A_11 = arith.constant 0 : i32
    %dma_start3A_12 = arith.constant 0 : i32
    %dma_start3A_13 = tpu.memref_slice %arg2[%dma_start3A_11, %dma_start3A_12] : memref<81600x128xi32, #tpu.memory_space<hbm>> -> memref<81600x128xi32, #tpu.memory_space<hbm>>
    tpu.enqueue_indirect_dma source(%dma_start3A_13 : memref<81600x128xi32, #tpu.memory_space<hbm>>) target(%arg7 : memref<64x128xi32, #tpu.memory_space<vmem>>) offsets(%dma_start3A_10 : memref<64xi32, #tpu.memory_space<vmem>>) semaphore(%arg11 : memref<!tpu.dma_semaphore, #tpu.memory_space<semaphore_mem>>)
    %multiple_of3A_14 = arith.constant 128 : i32
    %multiple_of3A_15 = tpu.assume_multiple %multiple_of3A_14, 8 : i32
    %dma_start3A_16 = tpu.memref_slice %arg5[%multiple_of3A_15] : memref<3072xi32, #tpu.memory_space<vmem>> -> memref<64xi32, #tpu.memory_space<vmem>>
    %dma_start3A_17 = arith.constant 0 : i32
    %dma_start3A_18 = arith.constant 0 : i32
    %dma_start3A_19 = tpu.memref_slice %arg2[%dma_start3A_17, %dma_start3A_18] : memref<81600x128xi32, #tpu.memory_space<hbm>> -> memref<81600x128xi32, #tpu.memory_space<hbm>>
    tpu.enqueue_indirect_dma source(%dma_start3A_19 : memref<81600x128xi32, #tpu.memory_space<hbm>>) target(%arg8 : memref<64x128xi32, #tpu.memory_space<vmem>>) offsets(%dma_start3A_16 : memref<64xi32, #tpu.memory_space<vmem>>) semaphore(%arg12 : memref<!tpu.dma_semaphore, #tpu.memory_space<semaphore_mem>>)
    %multiple_of3A_20 = arith.constant 192 : i32
    %multiple_of3A_21 = tpu.assume_multiple %multiple_of3A_20, 8 : i32
    %dma_start3A_22 = tpu.memref_slice %arg5[%multiple_of3A_21] : memref<3072xi32, #tpu.memory_space<vmem>> -> memref<64xi32, #tpu.memory_space<vmem>>
    %dma_start3A_23 = arith.constant 0 : i32
    %dma_start3A_24 = arith.constant 0 : i32
    %dma_start3A_25 = tpu.memref_slice %arg2[%dma_start3A_23, %dma_start3A_24] : memref<81600x128xi32, #tpu.memory_space<hbm>> -> memref<81600x128xi32, #tpu.memory_space<hbm>>
    tpu.enqueue_indirect_dma source(%dma_start3A_25 : memref<81600x128xi32, #tpu.memory_space<hbm>>) target(%arg9 : memref<64x128xi32, #tpu.memory_space<vmem>>) offsets(%dma_start3A_22 : memref<64xi32, #tpu.memory_space<vmem>>) semaphore(%arg13 : memref<!tpu.dma_semaphore, #tpu.memory_space<semaphore_mem>>)
    %scan3A = arith.constant 0 : i32
    %scan3A_26 = arith.constant 0 : i32
    %scan3A_27 = arith.constant 11 : i32
    %scan3A_28 = arith.addi %scan3A_26, %scan3A_27 : i32
    %scan3A_29 = arith.constant 1 : i32
    scf.for %scan3A_66 = %scan3A_26 to %scan3A_28 step %scan3A_29  : i32 {
      %mul3A_67 = arith.constant 4 : i32
      %mul3A_68 = arith.muli %scan3A_66, %mul3A_67 : i32
      %add3A_69 = arith.constant 0 : i32
      %add3A_70 = arith.addi %mul3A_68, %add3A_69 : i32
      %mul3A_71 = arith.constant 64 : i32
      %mul3A_72 = arith.muli %add3A_70, %mul3A_71 : i32
      %multiple_of3A_73 = tpu.assume_multiple %mul3A_72, 8 : i32
      %dma_wait3A_74 = tpu.memref_slice %arg5[%multiple_of3A_73] : memref<3072xi32, #tpu.memory_space<vmem>> -> memref<64xi32, #tpu.memory_space<vmem>>
      %dma_wait3A_75 = arith.constant 0 : i32
      %dma_wait3A_76 = arith.constant 0 : i32
      %dma_wait3A_77 = tpu.memref_slice %arg2[%dma_wait3A_75, %dma_wait3A_76] : memref<81600x128xi32, #tpu.memory_space<hbm>> -> memref<81600x128xi32, #tpu.memory_space<hbm>>
      tpu.wait_indirect_dma semaphore(%arg10 : memref<!tpu.dma_semaphore, #tpu.memory_space<semaphore_mem>>) src(%dma_wait3A_77 : memref<81600x128xi32, #tpu.memory_space<hbm>>) dst(%arg6 : memref<64x128xi32, #tpu.memory_space<vmem>>)
      %mul3A_78 = arith.constant 64 : i32
      %mul3A_79 = arith.muli %add3A_70, %mul3A_78 : i32
      %add3A_80 = arith.addi %multiple_of3A, %mul3A_79 : i32
      %multiple_of3A_81 = tpu.assume_multiple %add3A_80, 8 : i32
      "tpu.region"() ({
        %run_scoped3A = tpu.sem_alloc : memref<!tpu.dma_semaphore, #tpu.memory_space<semaphore_mem>>
        %dma_start3A_163 = arith.constant 0 : i32
        %dma_start3A_164 = tpu.memref_slice %arg4[%multiple_of3A_81, %dma_start3A_163] : memref<98304x128xi32, #tpu.memory_space<hbm>> -> memref<64x128xi32, #tpu.memory_space<hbm>>
        %dma_start3A_165 = arith.constant 0 : i32
        %dma_start3A_166 = tpu.memref_slice %arg4[%multiple_of3A_81, %dma_start3A_165] : memref<98304x128xi32, #tpu.memory_space<hbm>> -> memref<64x128xi32, #tpu.memory_space<hbm>>
        tpu.enqueue_dma source(%arg6 : memref<64x128xi32, #tpu.memory_space<vmem>>) target(%dma_start3A_166 : memref<64x128xi32, #tpu.memory_space<hbm>>) target_semaphore(%run_scoped3A : memref<!tpu.dma_semaphore, #tpu.memory_space<semaphore_mem>>)
        %dma_wait3A_167 = arith.constant 0 : i32
        %dma_wait3A_168 = tpu.memref_slice %arg4[%multiple_of3A_81, %dma_wait3A_167] : memref<98304x128xi32, #tpu.memory_space<hbm>> -> memref<64x128xi32, #tpu.memory_space<hbm>>
        %dma_wait3A_169 = arith.constant 0 : i32
        %dma_wait3A_170 = tpu.memref_slice %arg4[%multiple_of3A_81, %dma_wait3A_169] : memref<98304x128xi32, #tpu.memory_space<hbm>> -> memref<64x128xi32, #tpu.memory_space<hbm>>
        tpu.wait_dma2 semaphore(%run_scoped3A : memref<!tpu.dma_semaphore, #tpu.memory_space<semaphore_mem>>) src(%arg6 : memref<64x128xi32, #tpu.memory_space<vmem>>) dst(%dma_wait3A_170 : memref<64x128xi32, #tpu.memory_space<hbm>>)
        tpu.yield
      }) : () -> ()
      %add3A_82 = arith.constant 4 : i32
      %add3A_83 = arith.addi %add3A_70, %add3A_82 : i32
      %mul3A_84 = arith.constant 64 : i32
      %mul3A_85 = arith.muli %add3A_83, %mul3A_84 : i32
      %multiple_of3A_86 = tpu.assume_multiple %mul3A_85, 8 : i32
      %dma_start3A_87 = tpu.memref_slice %arg5[%multiple_of3A_86] : memref<3072xi32, #tpu.memory_space<vmem>> -> memref<64xi32, #tpu.memory_space<vmem>>
      %dma_start3A_88 = arith.constant 0 : i32
      %dma_start3A_89 = arith.constant 0 : i32
      %dma_start3A_90 = tpu.memref_slice %arg2[%dma_start3A_88, %dma_start3A_89] : memref<81600x128xi32, #tpu.memory_space<hbm>> -> memref<81600x128xi32, #tpu.memory_space<hbm>>
      tpu.enqueue_indirect_dma source(%dma_start3A_90 : memref<81600x128xi32, #tpu.memory_space<hbm>>) target(%arg6 : memref<64x128xi32, #tpu.memory_space<vmem>>) offsets(%dma_start3A_87 : memref<64xi32, #tpu.memory_space<vmem>>) semaphore(%arg10 : memref<!tpu.dma_semaphore, #tpu.memory_space<semaphore_mem>>)
      %mul3A_91 = arith.constant 4 : i32
      %mul3A_92 = arith.muli %scan3A_66, %mul3A_91 : i32
      %add3A_93 = arith.constant 1 : i32
      %add3A_94 = arith.addi %mul3A_92, %add3A_93 : i32
      %mul3A_95 = arith.constant 64 : i32
      %mul3A_96 = arith.muli %add3A_94, %mul3A_95 : i32
      %multiple_of3A_97 = tpu.assume_multiple %mul3A_96, 8 : i32
      %dma_wait3A_98 = tpu.memref_slice %arg5[%multiple_of3A_97] : memref<3072xi32, #tpu.memory_space<vmem>> -> memref<64xi32, #tpu.memory_space<vmem>>
      %dma_wait3A_99 = arith.constant 0 : i32
      %dma_wait3A_100 = arith.constant 0 : i32
      %dma_wait3A_101 = tpu.memref_slice %arg2[%dma_wait3A_99, %dma_wait3A_100] : memref<81600x128xi32, #tpu.memory_space<hbm>> -> memref<81600x128xi32, #tpu.memory_space<hbm>>
      tpu.wait_indirect_dma semaphore(%arg11 : memref<!tpu.dma_semaphore, #tpu.memory_space<semaphore_mem>>) src(%dma_wait3A_101 : memref<81600x128xi32, #tpu.memory_space<hbm>>) dst(%arg7 : memref<64x128xi32, #tpu.memory_space<vmem>>)
      %mul3A_102 = arith.constant 64 : i32
      %mul3A_103 = arith.muli %add3A_94, %mul3A_102 : i32
      %add3A_104 = arith.addi %multiple_of3A, %mul3A_103 : i32
      %multiple_of3A_105 = tpu.assume_multiple %add3A_104, 8 : i32
      "tpu.region"() ({
        %run_scoped3A = tpu.sem_alloc : memref<!tpu.dma_semaphore, #tpu.memory_space<semaphore_mem>>
        %dma_start3A_163 = arith.constant 0 : i32
        %dma_start3A_164 = tpu.memref_slice %arg4[%multiple_of3A_105, %dma_start3A_163] : memref<98304x128xi32, #tpu.memory_space<hbm>> -> memref<64x128xi32, #tpu.memory_space<hbm>>
        %dma_start3A_165 = arith.constant 0 : i32
        %dma_start3A_166 = tpu.memref_slice %arg4[%multiple_of3A_105, %dma_start3A_165] : memref<98304x128xi32, #tpu.memory_space<hbm>> -> memref<64x128xi32, #tpu.memory_space<hbm>>
        tpu.enqueue_dma source(%arg7 : memref<64x128xi32, #tpu.memory_space<vmem>>) target(%dma_start3A_166 : memref<64x128xi32, #tpu.memory_space<hbm>>) target_semaphore(%run_scoped3A : memref<!tpu.dma_semaphore, #tpu.memory_space<semaphore_mem>>)
        %dma_wait3A_167 = arith.constant 0 : i32
        %dma_wait3A_168 = tpu.memref_slice %arg4[%multiple_of3A_105, %dma_wait3A_167] : memref<98304x128xi32, #tpu.memory_space<hbm>> -> memref<64x128xi32, #tpu.memory_space<hbm>>
        %dma_wait3A_169 = arith.constant 0 : i32
        %dma_wait3A_170 = tpu.memref_slice %arg4[%multiple_of3A_105, %dma_wait3A_169] : memref<98304x128xi32, #tpu.memory_space<hbm>> -> memref<64x128xi32, #tpu.memory_space<hbm>>
        tpu.wait_dma2 semaphore(%run_scoped3A : memref<!tpu.dma_semaphore, #tpu.memory_space<semaphore_mem>>) src(%arg7 : memref<64x128xi32, #tpu.memory_space<vmem>>) dst(%dma_wait3A_170 : memref<64x128xi32, #tpu.memory_space<hbm>>)
        tpu.yield
      }) : () -> ()
      %add3A_106 = arith.constant 4 : i32
      %add3A_107 = arith.addi %add3A_94, %add3A_106 : i32
      %mul3A_108 = arith.constant 64 : i32
      %mul3A_109 = arith.muli %add3A_107, %mul3A_108 : i32
      %multiple_of3A_110 = tpu.assume_multiple %mul3A_109, 8 : i32
      %dma_start3A_111 = tpu.memref_slice %arg5[%multiple_of3A_110] : memref<3072xi32, #tpu.memory_space<vmem>> -> memref<64xi32, #tpu.memory_space<vmem>>
      %dma_start3A_112 = arith.constant 0 : i32
      %dma_start3A_113 = arith.constant 0 : i32
      %dma_start3A_114 = tpu.memref_slice %arg2[%dma_start3A_112, %dma_start3A_113] : memref<81600x128xi32, #tpu.memory_space<hbm>> -> memref<81600x128xi32, #tpu.memory_space<hbm>>
      tpu.enqueue_indirect_dma source(%dma_start3A_114 : memref<81600x128xi32, #tpu.memory_space<hbm>>) target(%arg7 : memref<64x128xi32, #tpu.memory_space<vmem>>) offsets(%dma_start3A_111 : memref<64xi32, #tpu.memory_space<vmem>>) semaphore(%arg11 : memref<!tpu.dma_semaphore, #tpu.memory_space<semaphore_mem>>)
      %mul3A_115 = arith.constant 4 : i32
      %mul3A_116 = arith.muli %scan3A_66, %mul3A_115 : i32
      %add3A_117 = arith.constant 2 : i32
      %add3A_118 = arith.addi %mul3A_116, %add3A_117 : i32
      %mul3A_119 = arith.constant 64 : i32
      %mul3A_120 = arith.muli %add3A_118, %mul3A_119 : i32
      %multiple_of3A_121 = tpu.assume_multiple %mul3A_120, 8 : i32
      %dma_wait3A_122 = tpu.memref_slice %arg5[%multiple_of3A_121] : memref<3072xi32, #tpu.memory_space<vmem>> -> memref<64xi32, #tpu.memory_space<vmem>>
      %dma_wait3A_123 = arith.constant 0 : i32
      %dma_wait3A_124 = arith.constant 0 : i32
      %dma_wait3A_125 = tpu.memref_slice %arg2[%dma_wait3A_123, %dma_wait3A_124] : memref<81600x128xi32, #tpu.memory_space<hbm>> -> memref<81600x128xi32, #tpu.memory_space<hbm>>
      tpu.wait_indirect_dma semaphore(%arg12 : memref<!tpu.dma_semaphore, #tpu.memory_space<semaphore_mem>>) src(%dma_wait3A_125 : memref<81600x128xi32, #tpu.memory_space<hbm>>) dst(%arg8 : memref<64x128xi32, #tpu.memory_space<vmem>>)
      %mul3A_126 = arith.constant 64 : i32
      %mul3A_127 = arith.muli %add3A_118, %mul3A_126 : i32
      %add3A_128 = arith.addi %multiple_of3A, %mul3A_127 : i32
      %multiple_of3A_129 = tpu.assume_multiple %add3A_128, 8 : i32
      "tpu.region"() ({
        %run_scoped3A = tpu.sem_alloc : memref<!tpu.dma_semaphore, #tpu.memory_space<semaphore_mem>>
        %dma_start3A_163 = arith.constant 0 : i32
        %dma_start3A_164 = tpu.memref_slice %arg4[%multiple_of3A_129, %dma_start3A_163] : memref<98304x128xi32, #tpu.memory_space<hbm>> -> memref<64x128xi32, #tpu.memory_space<hbm>>
        %dma_start3A_165 = arith.constant 0 : i32
        %dma_start3A_166 = tpu.memref_slice %arg4[%multiple_of3A_129, %dma_start3A_165] : memref<98304x128xi32, #tpu.memory_space<hbm>> -> memref<64x128xi32, #tpu.memory_space<hbm>>
        tpu.enqueue_dma source(%arg8 : memref<64x128xi32, #tpu.memory_space<vmem>>) target(%dma_start3A_166 : memref<64x128xi32, #tpu.memory_space<hbm>>) target_semaphore(%run_scoped3A : memref<!tpu.dma_semaphore, #tpu.memory_space<semaphore_mem>>)
        %dma_wait3A_167 = arith.constant 0 : i32
        %dma_wait3A_168 = tpu.memref_slice %arg4[%multiple_of3A_129, %dma_wait3A_167] : memref<98304x128xi32, #tpu.memory_space<hbm>> -> memref<64x128xi32, #tpu.memory_space<hbm>>
        %dma_wait3A_169 = arith.constant 0 : i32
        %dma_wait3A_170 = tpu.memref_slice %arg4[%multiple_of3A_129, %dma_wait3A_169] : memref<98304x128xi32, #tpu.memory_space<hbm>> -> memref<64x128xi32, #tpu.memory_space<hbm>>
        tpu.wait_dma2 semaphore(%run_scoped3A : memref<!tpu.dma_semaphore, #tpu.memory_space<semaphore_mem>>) src(%arg8 : memref<64x128xi32, #tpu.memory_space<vmem>>) dst(%dma_wait3A_170 : memref<64x128xi32, #tpu.memory_space<hbm>>)
        tpu.yield
      }) : () -> ()
      %add3A_130 = arith.constant 4 : i32
      %add3A_131 = arith.addi %add3A_118, %add3A_130 : i32
      %mul3A_132 = arith.constant 64 : i32
      %mul3A_133 = arith.muli %add3A_131, %mul3A_132 : i32
      %multiple_of3A_134 = tpu.assume_multiple %mul3A_133, 8 : i32
      %dma_start3A_135 = tpu.memref_slice %arg5[%multiple_of3A_134] : memref<3072xi32, #tpu.memory_space<vmem>> -> memref<64xi32, #tpu.memory_space<vmem>>
      %dma_start3A_136 = arith.constant 0 : i32
      %dma_start3A_137 = arith.constant 0 : i32
      %dma_start3A_138 = tpu.memref_slice %arg2[%dma_start3A_136, %dma_start3A_137] : memref<81600x128xi32, #tpu.memory_space<hbm>> -> memref<81600x128xi32, #tpu.memory_space<hbm>>
      tpu.enqueue_indirect_dma source(%dma_start3A_138 : memref<81600x128xi32, #tpu.memory_space<hbm>>) target(%arg8 : memref<64x128xi32, #tpu.memory_space<vmem>>) offsets(%dma_start3A_135 : memref<64xi32, #tpu.memory_space<vmem>>) semaphore(%arg12 : memref<!tpu.dma_semaphore, #tpu.memory_space<semaphore_mem>>)
      %mul3A_139 = arith.constant 4 : i32
      %mul3A_140 = arith.muli %scan3A_66, %mul3A_139 : i32
      %add3A_141 = arith.constant 3 : i32
      %add3A_142 = arith.addi %mul3A_140, %add3A_141 : i32
      %mul3A_143 = arith.constant 64 : i32
      %mul3A_144 = arith.muli %add3A_142, %mul3A_143 : i32
      %multiple_of3A_145 = tpu.assume_multiple %mul3A_144, 8 : i32
      %dma_wait3A_146 = tpu.memref_slice %arg5[%multiple_of3A_145] : memref<3072xi32, #tpu.memory_space<vmem>> -> memref<64xi32, #tpu.memory_space<vmem>>
      %dma_wait3A_147 = arith.constant 0 : i32
      %dma_wait3A_148 = arith.constant 0 : i32
      %dma_wait3A_149 = tpu.memref_slice %arg2[%dma_wait3A_147, %dma_wait3A_148] : memref<81600x128xi32, #tpu.memory_space<hbm>> -> memref<81600x128xi32, #tpu.memory_space<hbm>>
      tpu.wait_indirect_dma semaphore(%arg13 : memref<!tpu.dma_semaphore, #tpu.memory_space<semaphore_mem>>) src(%dma_wait3A_149 : memref<81600x128xi32, #tpu.memory_space<hbm>>) dst(%arg9 : memref<64x128xi32, #tpu.memory_space<vmem>>)
      %mul3A_150 = arith.constant 64 : i32
      %mul3A_151 = arith.muli %add3A_142, %mul3A_150 : i32
      %add3A_152 = arith.addi %multiple_of3A, %mul3A_151 : i32
      %multiple_of3A_153 = tpu.assume_multiple %add3A_152, 8 : i32
      "tpu.region"() ({
        %run_scoped3A = tpu.sem_alloc : memref<!tpu.dma_semaphore, #tpu.memory_space<semaphore_mem>>
        %dma_start3A_163 = arith.constant 0 : i32
        %dma_start3A_164 = tpu.memref_slice %arg4[%multiple_of3A_153, %dma_start3A_163] : memref<98304x128xi32, #tpu.memory_space<hbm>> -> memref<64x128xi32, #tpu.memory_space<hbm>>
        %dma_start3A_165 = arith.constant 0 : i32
        %dma_start3A_166 = tpu.memref_slice %arg4[%multiple_of3A_153, %dma_start3A_165] : memref<98304x128xi32, #tpu.memory_space<hbm>> -> memref<64x128xi32, #tpu.memory_space<hbm>>
        tpu.enqueue_dma source(%arg9 : memref<64x128xi32, #tpu.memory_space<vmem>>) target(%dma_start3A_166 : memref<64x128xi32, #tpu.memory_space<hbm>>) target_semaphore(%run_scoped3A : memref<!tpu.dma_semaphore, #tpu.memory_space<semaphore_mem>>)
        %dma_wait3A_167 = arith.constant 0 : i32
        %dma_wait3A_168 = tpu.memref_slice %arg4[%multiple_of3A_153, %dma_wait3A_167] : memref<98304x128xi32, #tpu.memory_space<hbm>> -> memref<64x128xi32, #tpu.memory_space<hbm>>
        %dma_wait3A_169 = arith.constant 0 : i32
        %dma_wait3A_170 = tpu.memref_slice %arg4[%multiple_of3A_153, %dma_wait3A_169] : memref<98304x128xi32, #tpu.memory_space<hbm>> -> memref<64x128xi32, #tpu.memory_space<hbm>>
        tpu.wait_dma2 semaphore(%run_scoped3A : memref<!tpu.dma_semaphore, #tpu.memory_space<semaphore_mem>>) src(%arg9 : memref<64x128xi32, #tpu.memory_space<vmem>>) dst(%dma_wait3A_170 : memref<64x128xi32, #tpu.memory_space<hbm>>)
        tpu.yield
      }) : () -> ()
      %add3A_154 = arith.constant 4 : i32
      %add3A_155 = arith.addi %add3A_142, %add3A_154 : i32
      %mul3A_156 = arith.constant 64 : i32
      %mul3A_157 = arith.muli %add3A_155, %mul3A_156 : i32
      %multiple_of3A_158 = tpu.assume_multiple %mul3A_157, 8 : i32
      %dma_start3A_159 = tpu.memref_slice %arg5[%multiple_of3A_158] : memref<3072xi32, #tpu.memory_space<vmem>> -> memref<64xi32, #tpu.memory_space<vmem>>
      %dma_start3A_160 = arith.constant 0 : i32
      %dma_start3A_161 = arith.constant 0 : i32
      %dma_start3A_162 = tpu.memref_slice %arg2[%dma_start3A_160, %dma_start3A_161] : memref<81600x128xi32, #tpu.memory_space<hbm>> -> memref<81600x128xi32, #tpu.memory_space<hbm>>
      tpu.enqueue_indirect_dma source(%dma_start3A_162 : memref<81600x128xi32, #tpu.memory_space<hbm>>) target(%arg9 : memref<64x128xi32, #tpu.memory_space<vmem>>) offsets(%dma_start3A_159 : memref<64xi32, #tpu.memory_space<vmem>>) semaphore(%arg13 : memref<!tpu.dma_semaphore, #tpu.memory_space<semaphore_mem>>)
    }
    %scan3A_30 = arith.constant 11 : i32
    %multiple_of3A_31 = arith.constant 2816 : i32
    %multiple_of3A_32 = tpu.assume_multiple %multiple_of3A_31, 8 : i32
    %dma_wait3A = tpu.memref_slice %arg5[%multiple_of3A_32] : memref<3072xi32, #tpu.memory_space<vmem>> -> memref<64xi32, #tpu.memory_space<vmem>>
    %dma_wait3A_33 = arith.constant 0 : i32
    %dma_wait3A_34 = arith.constant 0 : i32
    %dma_wait3A_35 = tpu.memref_slice %arg2[%dma_wait3A_33, %dma_wait3A_34] : memref<81600x128xi32, #tpu.memory_space<hbm>> -> memref<81600x128xi32, #tpu.memory_space<hbm>>
    tpu.wait_indirect_dma semaphore(%arg10 : memref<!tpu.dma_semaphore, #tpu.memory_space<semaphore_mem>>) src(%dma_wait3A_35 : memref<81600x128xi32, #tpu.memory_space<hbm>>) dst(%arg6 : memref<64x128xi32, #tpu.memory_space<vmem>>)
    %add3A_36 = arith.constant 2816 : i32
    %add3A_37 = arith.addi %multiple_of3A, %add3A_36 : i32
    %multiple_of3A_38 = tpu.assume_multiple %add3A_37, 8 : i32
    "tpu.region"() ({
      %run_scoped3A = tpu.sem_alloc : memref<!tpu.dma_semaphore, #tpu.memory_space<semaphore_mem>>
      %dma_start3A_66 = arith.constant 0 : i32
      %dma_start3A_67 = tpu.memref_slice %arg4[%multiple_of3A_38, %dma_start3A_66] : memref<98304x128xi32, #tpu.memory_space<hbm>> -> memref<64x128xi32, #tpu.memory_space<hbm>>
      %dma_start3A_68 = arith.constant 0 : i32
      %dma_start3A_69 = tpu.memref_slice %arg4[%multiple_of3A_38, %dma_start3A_68] : memref<98304x128xi32, #tpu.memory_space<hbm>> -> memref<64x128xi32, #tpu.memory_space<hbm>>
      tpu.enqueue_dma source(%arg6 : memref<64x128xi32, #tpu.memory_space<vmem>>) target(%dma_start3A_69 : memref<64x128xi32, #tpu.memory_space<hbm>>) target_semaphore(%run_scoped3A : memref<!tpu.dma_semaphore, #tpu.memory_space<semaphore_mem>>)
      %dma_wait3A_70 = arith.constant 0 : i32
      %dma_wait3A_71 = tpu.memref_slice %arg4[%multiple_of3A_38, %dma_wait3A_70] : memref<98304x128xi32, #tpu.memory_space<hbm>> -> memref<64x128xi32, #tpu.memory_space<hbm>>
      %dma_wait3A_72 = arith.constant 0 : i32
      %dma_wait3A_73 = tpu.memref_slice %arg4[%multiple_of3A_38, %dma_wait3A_72] : memref<98304x128xi32, #tpu.memory_space<hbm>> -> memref<64x128xi32, #tpu.memory_space<hbm>>
      tpu.wait_dma2 semaphore(%run_scoped3A : memref<!tpu.dma_semaphore, #tpu.memory_space<semaphore_mem>>) src(%arg6 : memref<64x128xi32, #tpu.memory_space<vmem>>) dst(%dma_wait3A_73 : memref<64x128xi32, #tpu.memory_space<hbm>>)
      tpu.yield
    }) : () -> ()
    %multiple_of3A_39 = arith.constant 2880 : i32
    %multiple_of3A_40 = tpu.assume_multiple %multiple_of3A_39, 8 : i32
    %dma_wait3A_41 = tpu.memref_slice %arg5[%multiple_of3A_40] : memref<3072xi32, #tpu.memory_space<vmem>> -> memref<64xi32, #tpu.memory_space<vmem>>
    %dma_wait3A_42 = arith.constant 0 : i32
    %dma_wait3A_43 = arith.constant 0 : i32
    %dma_wait3A_44 = tpu.memref_slice %arg2[%dma_wait3A_42, %dma_wait3A_43] : memref<81600x128xi32, #tpu.memory_space<hbm>> -> memref<81600x128xi32, #tpu.memory_space<hbm>>
    tpu.wait_indirect_dma semaphore(%arg11 : memref<!tpu.dma_semaphore, #tpu.memory_space<semaphore_mem>>) src(%dma_wait3A_44 : memref<81600x128xi32, #tpu.memory_space<hbm>>) dst(%arg7 : memref<64x128xi32, #tpu.memory_space<vmem>>)
    %add3A_45 = arith.constant 2880 : i32
    %add3A_46 = arith.addi %multiple_of3A, %add3A_45 : i32
    %multiple_of3A_47 = tpu.assume_multiple %add3A_46, 8 : i32
    "tpu.region"() ({
      %run_scoped3A = tpu.sem_alloc : memref<!tpu.dma_semaphore, #tpu.memory_space<semaphore_mem>>
      %dma_start3A_66 = arith.constant 0 : i32
      %dma_start3A_67 = tpu.memref_slice %arg4[%multiple_of3A_47, %dma_start3A_66] : memref<98304x128xi32, #tpu.memory_space<hbm>> -> memref<64x128xi32, #tpu.memory_space<hbm>>
      %dma_start3A_68 = arith.constant 0 : i32
      %dma_start3A_69 = tpu.memref_slice %arg4[%multiple_of3A_47, %dma_start3A_68] : memref<98304x128xi32, #tpu.memory_space<hbm>> -> memref<64x128xi32, #tpu.memory_space<hbm>>
      tpu.enqueue_dma source(%arg7 : memref<64x128xi32, #tpu.memory_space<vmem>>) target(%dma_start3A_69 : memref<64x128xi32, #tpu.memory_space<hbm>>) target_semaphore(%run_scoped3A : memref<!tpu.dma_semaphore, #tpu.memory_space<semaphore_mem>>)
      %dma_wait3A_70 = arith.constant 0 : i32
      %dma_wait3A_71 = tpu.memref_slice %arg4[%multiple_of3A_47, %dma_wait3A_70] : memref<98304x128xi32, #tpu.memory_space<hbm>> -> memref<64x128xi32, #tpu.memory_space<hbm>>
      %dma_wait3A_72 = arith.constant 0 : i32
      %dma_wait3A_73 = tpu.memref_slice %arg4[%multiple_of3A_47, %dma_wait3A_72] : memref<98304x128xi32, #tpu.memory_space<hbm>> -> memref<64x128xi32, #tpu.memory_space<hbm>>
      tpu.wait_dma2 semaphore(%run_scoped3A : memref<!tpu.dma_semaphore, #tpu.memory_space<semaphore_mem>>) src(%arg7 : memref<64x128xi32, #tpu.memory_space<vmem>>) dst(%dma_wait3A_73 : memref<64x128xi32, #tpu.memory_space<hbm>>)
      tpu.yield
    }) : () -> ()
    %multiple_of3A_48 = arith.constant 2944 : i32
    %multiple_of3A_49 = tpu.assume_multiple %multiple_of3A_48, 8 : i32
    %dma_wait3A_50 = tpu.memref_slice %arg5[%multiple_of3A_49] : memref<3072xi32, #tpu.memory_space<vmem>> -> memref<64xi32, #tpu.memory_space<vmem>>
    %dma_wait3A_51 = arith.constant 0 : i32
    %dma_wait3A_52 = arith.constant 0 : i32
    %dma_wait3A_53 = tpu.memref_slice %arg2[%dma_wait3A_51, %dma_wait3A_52] : memref<81600x128xi32, #tpu.memory_space<hbm>> -> memref<81600x128xi32, #tpu.memory_space<hbm>>
    tpu.wait_indirect_dma semaphore(%arg12 : memref<!tpu.dma_semaphore, #tpu.memory_space<semaphore_mem>>) src(%dma_wait3A_53 : memref<81600x128xi32, #tpu.memory_space<hbm>>) dst(%arg8 : memref<64x128xi32, #tpu.memory_space<vmem>>)
    %add3A_54 = arith.constant 2944 : i32
    %add3A_55 = arith.addi %multiple_of3A, %add3A_54 : i32
    %multiple_of3A_56 = tpu.assume_multiple %add3A_55, 8 : i32
    "tpu.region"() ({
      %run_scoped3A = tpu.sem_alloc : memref<!tpu.dma_semaphore, #tpu.memory_space<semaphore_mem>>
      %dma_start3A_66 = arith.constant 0 : i32
      %dma_start3A_67 = tpu.memref_slice %arg4[%multiple_of3A_56, %dma_start3A_66] : memref<98304x128xi32, #tpu.memory_space<hbm>> -> memref<64x128xi32, #tpu.memory_space<hbm>>
      %dma_start3A_68 = arith.constant 0 : i32
      %dma_start3A_69 = tpu.memref_slice %arg4[%multiple_of3A_56, %dma_start3A_68] : memref<98304x128xi32, #tpu.memory_space<hbm>> -> memref<64x128xi32, #tpu.memory_space<hbm>>
      tpu.enqueue_dma source(%arg8 : memref<64x128xi32, #tpu.memory_space<vmem>>) target(%dma_start3A_69 : memref<64x128xi32, #tpu.memory_space<hbm>>) target_semaphore(%run_scoped3A : memref<!tpu.dma_semaphore, #tpu.memory_space<semaphore_mem>>)
      %dma_wait3A_70 = arith.constant 0 : i32
      %dma_wait3A_71 = tpu.memref_slice %arg4[%multiple_of3A_56, %dma_wait3A_70] : memref<98304x128xi32, #tpu.memory_space<hbm>> -> memref<64x128xi32, #tpu.memory_space<hbm>>
      %dma_wait3A_72 = arith.constant 0 : i32
      %dma_wait3A_73 = tpu.memref_slice %arg4[%multiple_of3A_56, %dma_wait3A_72] : memref<98304x128xi32, #tpu.memory_space<hbm>> -> memref<64x128xi32, #tpu.memory_space<hbm>>
      tpu.wait_dma2 semaphore(%run_scoped3A : memref<!tpu.dma_semaphore, #tpu.memory_space<semaphore_mem>>) src(%arg8 : memref<64x128xi32, #tpu.memory_space<vmem>>) dst(%dma_wait3A_73 : memref<64x128xi32, #tpu.memory_space<hbm>>)
      tpu.yield
    }) : () -> ()
    %multiple_of3A_57 = arith.constant 3008 : i32
    %multiple_of3A_58 = tpu.assume_multiple %multiple_of3A_57, 8 : i32
    %dma_wait3A_59 = tpu.memref_slice %arg5[%multiple_of3A_58] : memref<3072xi32, #tpu.memory_space<vmem>> -> memref<64xi32, #tpu.memory_space<vmem>>
    %dma_wait3A_60 = arith.constant 0 : i32
    %dma_wait3A_61 = arith.constant 0 : i32
    %dma_wait3A_62 = tpu.memref_slice %arg2[%dma_wait3A_60, %dma_wait3A_61] : memref<81600x128xi32, #tpu.memory_space<hbm>> -> memref<81600x128xi32, #tpu.memory_space<hbm>>
    tpu.wait_indirect_dma semaphore(%arg13 : memref<!tpu.dma_semaphore, #tpu.memory_space<semaphore_mem>>) src(%dma_wait3A_62 : memref<81600x128xi32, #tpu.memory_space<hbm>>) dst(%arg9 : memref<64x128xi32, #tpu.memory_space<vmem>>)
    %add3A_63 = arith.constant 3008 : i32
    %add3A_64 = arith.addi %multiple_of3A, %add3A_63 : i32
    %multiple_of3A_65 = tpu.assume_multiple %add3A_64, 8 : i32
    "tpu.region"() ({
      %run_scoped3A = tpu.sem_alloc : memref<!tpu.dma_semaphore, #tpu.memory_space<semaphore_mem>>
      %dma_start3A_66 = arith.constant 0 : i32
      %dma_start3A_67 = tpu.memref_slice %arg4[%multiple_of3A_65, %dma_start3A_66] : memref<98304x128xi32, #tpu.memory_space<hbm>> -> memref<64x128xi32, #tpu.memory_space<hbm>>
      %dma_start3A_68 = arith.constant 0 : i32
      %dma_start3A_69 = tpu.memref_slice %arg4[%multiple_of3A_65, %dma_start3A_68] : memref<98304x128xi32, #tpu.memory_space<hbm>> -> memref<64x128xi32, #tpu.memory_space<hbm>>
      tpu.enqueue_dma source(%arg9 : memref<64x128xi32, #tpu.memory_space<vmem>>) target(%dma_start3A_69 : memref<64x128xi32, #tpu.memory_space<hbm>>) target_semaphore(%run_scoped3A : memref<!tpu.dma_semaphore, #tpu.memory_space<semaphore_mem>>)
      %dma_wait3A_70 = arith.constant 0 : i32
      %dma_wait3A_71 = tpu.memref_slice %arg4[%multiple_of3A_65, %dma_wait3A_70] : memref<98304x128xi32, #tpu.memory_space<hbm>> -> memref<64x128xi32, #tpu.memory_space<hbm>>
      %dma_wait3A_72 = arith.constant 0 : i32
      %dma_wait3A_73 = tpu.memref_slice %arg4[%multiple_of3A_65, %dma_wait3A_72] : memref<98304x128xi32, #tpu.memory_space<hbm>> -> memref<64x128xi32, #tpu.memory_space<hbm>>
      tpu.wait_dma2 semaphore(%run_scoped3A : memref<!tpu.dma_semaphore, #tpu.memory_space<semaphore_mem>>) src(%arg9 : memref<64x128xi32, #tpu.memory_space<vmem>>) dst(%dma_wait3A_73 : memref<64x128xi32, #tpu.memory_space<hbm>>)
      tpu.yield
    }) : () -> ()
    return
  }
}

#map = affine_map<(d0, d1) -> (0, 0)>
#map1 = affine_map<(d0, d1) -> (0)>
module attributes {stable_mosaic.version = 14 : i64} {
  func.func @gk(%arg0: i32, %arg1: i32, %arg2: memref<81600x128xi32, #tpu.memory_space<hbm>>, %arg3: memref<102400xi32, #tpu.memory_space<hbm>>, %arg4: memref<102400x128xi32, #tpu.memory_space<hbm>>, %arg5: memref<3200xi32, #tpu.memory_space<vmem>>, %arg6: memref<64x128xi32, #tpu.memory_space<vmem>>, %arg7: memref<64x128xi32, #tpu.memory_space<vmem>>, %arg8: memref<64x128xi32, #tpu.memory_space<vmem>>, %arg9: memref<64x128xi32, #tpu.memory_space<vmem>>, %arg10: memref<64x128xi32, #tpu.memory_space<vmem>>, %arg11: memref<!tpu.dma_semaphore, #tpu.memory_space<semaphore_mem>>, %arg12: memref<!tpu.dma_semaphore, #tpu.memory_space<semaphore_mem>>, %arg13: memref<!tpu.dma_semaphore, #tpu.memory_space<semaphore_mem>>, %arg14: memref<!tpu.dma_semaphore, #tpu.memory_space<semaphore_mem>>, %arg15: memref<!tpu.dma_semaphore, #tpu.memory_space<semaphore_mem>>) attributes {dimension_semantics = [#tpu.dimension_semantics<core_parallel>, #tpu.dimension_semantics<subcore_parallel>], iteration_bounds = array<i64: 2, 16>, scalar_prefetch = 0 : i64, scratch_operands = 11 : i64, tpu.core_type = #tpu.core_type<sc_vector_subcore>, window_params = [{transform_indices = #map}, {transform_indices = #map1}, {transform_indices = #map}]} {
    %mul3A = arith.constant 2 : i32
    %mul3A_0 = arith.muli %arg1, %mul3A : i32
    %add3A = arith.addi %mul3A_0, %arg0 : i32
    %mul3A_1 = arith.constant 3200 : i32
    %mul3A_2 = arith.muli %add3A, %mul3A_1 : i32
    %multiple_of3A = tpu.assume_multiple %mul3A_2, 8 : i32
    "tpu.region"() ({
      %run_scoped3A = tpu.sem_alloc : memref<!tpu.dma_semaphore, #tpu.memory_space<semaphore_mem>>
      %dma_start3A_81 = tpu.memref_slice %arg3[%multiple_of3A] : memref<102400xi32, #tpu.memory_space<hbm>> -> memref<3200xi32, #tpu.memory_space<hbm>>
      %dma_start3A_82 = tpu.memref_slice %arg3[%multiple_of3A] : memref<102400xi32, #tpu.memory_space<hbm>> -> memref<3200xi32, #tpu.memory_space<hbm>>
      tpu.enqueue_dma source(%dma_start3A_82 : memref<3200xi32, #tpu.memory_space<hbm>>) target(%arg5 : memref<3200xi32, #tpu.memory_space<vmem>>) target_semaphore(%run_scoped3A : memref<!tpu.dma_semaphore, #tpu.memory_space<semaphore_mem>>)
      %dma_wait3A_83 = tpu.memref_slice %arg3[%multiple_of3A] : memref<102400xi32, #tpu.memory_space<hbm>> -> memref<3200xi32, #tpu.memory_space<hbm>>
      %dma_wait3A_84 = tpu.memref_slice %arg3[%multiple_of3A] : memref<102400xi32, #tpu.memory_space<hbm>> -> memref<3200xi32, #tpu.memory_space<hbm>>
      tpu.wait_dma2 semaphore(%run_scoped3A : memref<!tpu.dma_semaphore, #tpu.memory_space<semaphore_mem>>) src(%dma_wait3A_84 : memref<3200xi32, #tpu.memory_space<hbm>>) dst(%arg5 : memref<3200xi32, #tpu.memory_space<vmem>>)
      tpu.yield
    }) : () -> ()
    %multiple_of3A_3 = arith.constant 0 : i32
    %multiple_of3A_4 = tpu.assume_multiple %multiple_of3A_3, 8 : i32
    %dma_start3A = tpu.memref_slice %arg5[%multiple_of3A_4] : memref<3200xi32, #tpu.memory_space<vmem>> -> memref<64xi32, #tpu.memory_space<vmem>>
    %dma_start3A_5 = arith.constant 0 : i32
    %dma_start3A_6 = arith.constant 0 : i32
    %dma_start3A_7 = tpu.memref_slice %arg2[%dma_start3A_5, %dma_start3A_6] : memref<81600x128xi32, #tpu.memory_space<hbm>> -> memref<81600x128xi32, #tpu.memory_space<hbm>>
    tpu.enqueue_indirect_dma source(%dma_start3A_7 : memref<81600x128xi32, #tpu.memory_space<hbm>>) target(%arg6 : memref<64x128xi32, #tpu.memory_space<vmem>>) offsets(%dma_start3A : memref<64xi32, #tpu.memory_space<vmem>>) semaphore(%arg11 : memref<!tpu.dma_semaphore, #tpu.memory_space<semaphore_mem>>)
    %multiple_of3A_8 = arith.constant 64 : i32
    %multiple_of3A_9 = tpu.assume_multiple %multiple_of3A_8, 8 : i32
    %dma_start3A_10 = tpu.memref_slice %arg5[%multiple_of3A_9] : memref<3200xi32, #tpu.memory_space<vmem>> -> memref<64xi32, #tpu.memory_space<vmem>>
    %dma_start3A_11 = arith.constant 0 : i32
    %dma_start3A_12 = arith.constant 0 : i32
    %dma_start3A_13 = tpu.memref_slice %arg2[%dma_start3A_11, %dma_start3A_12] : memref<81600x128xi32, #tpu.memory_space<hbm>> -> memref<81600x128xi32, #tpu.memory_space<hbm>>
    tpu.enqueue_indirect_dma source(%dma_start3A_13 : memref<81600x128xi32, #tpu.memory_space<hbm>>) target(%arg7 : memref<64x128xi32, #tpu.memory_space<vmem>>) offsets(%dma_start3A_10 : memref<64xi32, #tpu.memory_space<vmem>>) semaphore(%arg12 : memref<!tpu.dma_semaphore, #tpu.memory_space<semaphore_mem>>)
    %multiple_of3A_14 = arith.constant 128 : i32
    %multiple_of3A_15 = tpu.assume_multiple %multiple_of3A_14, 8 : i32
    %dma_start3A_16 = tpu.memref_slice %arg5[%multiple_of3A_15] : memref<3200xi32, #tpu.memory_space<vmem>> -> memref<64xi32, #tpu.memory_space<vmem>>
    %dma_start3A_17 = arith.constant 0 : i32
    %dma_start3A_18 = arith.constant 0 : i32
    %dma_start3A_19 = tpu.memref_slice %arg2[%dma_start3A_17, %dma_start3A_18] : memref<81600x128xi32, #tpu.memory_space<hbm>> -> memref<81600x128xi32, #tpu.memory_space<hbm>>
    tpu.enqueue_indirect_dma source(%dma_start3A_19 : memref<81600x128xi32, #tpu.memory_space<hbm>>) target(%arg8 : memref<64x128xi32, #tpu.memory_space<vmem>>) offsets(%dma_start3A_16 : memref<64xi32, #tpu.memory_space<vmem>>) semaphore(%arg13 : memref<!tpu.dma_semaphore, #tpu.memory_space<semaphore_mem>>)
    %multiple_of3A_20 = arith.constant 192 : i32
    %multiple_of3A_21 = tpu.assume_multiple %multiple_of3A_20, 8 : i32
    %dma_start3A_22 = tpu.memref_slice %arg5[%multiple_of3A_21] : memref<3200xi32, #tpu.memory_space<vmem>> -> memref<64xi32, #tpu.memory_space<vmem>>
    %dma_start3A_23 = arith.constant 0 : i32
    %dma_start3A_24 = arith.constant 0 : i32
    %dma_start3A_25 = tpu.memref_slice %arg2[%dma_start3A_23, %dma_start3A_24] : memref<81600x128xi32, #tpu.memory_space<hbm>> -> memref<81600x128xi32, #tpu.memory_space<hbm>>
    tpu.enqueue_indirect_dma source(%dma_start3A_25 : memref<81600x128xi32, #tpu.memory_space<hbm>>) target(%arg9 : memref<64x128xi32, #tpu.memory_space<vmem>>) offsets(%dma_start3A_22 : memref<64xi32, #tpu.memory_space<vmem>>) semaphore(%arg14 : memref<!tpu.dma_semaphore, #tpu.memory_space<semaphore_mem>>)
    %multiple_of3A_26 = arith.constant 256 : i32
    %multiple_of3A_27 = tpu.assume_multiple %multiple_of3A_26, 8 : i32
    %dma_start3A_28 = tpu.memref_slice %arg5[%multiple_of3A_27] : memref<3200xi32, #tpu.memory_space<vmem>> -> memref<64xi32, #tpu.memory_space<vmem>>
    %dma_start3A_29 = arith.constant 0 : i32
    %dma_start3A_30 = arith.constant 0 : i32
    %dma_start3A_31 = tpu.memref_slice %arg2[%dma_start3A_29, %dma_start3A_30] : memref<81600x128xi32, #tpu.memory_space<hbm>> -> memref<81600x128xi32, #tpu.memory_space<hbm>>
    tpu.enqueue_indirect_dma source(%dma_start3A_31 : memref<81600x128xi32, #tpu.memory_space<hbm>>) target(%arg10 : memref<64x128xi32, #tpu.memory_space<vmem>>) offsets(%dma_start3A_28 : memref<64xi32, #tpu.memory_space<vmem>>) semaphore(%arg15 : memref<!tpu.dma_semaphore, #tpu.memory_space<semaphore_mem>>)
    %scan3A = arith.constant 0 : i32
    %scan3A_32 = arith.constant 0 : i32
    %scan3A_33 = arith.constant 9 : i32
    %scan3A_34 = arith.addi %scan3A_32, %scan3A_33 : i32
    %scan3A_35 = arith.constant 1 : i32
    scf.for %scan3A_81 = %scan3A_32 to %scan3A_34 step %scan3A_35  : i32 {
      %mul3A_82 = arith.constant 5 : i32
      %mul3A_83 = arith.muli %scan3A_81, %mul3A_82 : i32
      %add3A_84 = arith.constant 0 : i32
      %add3A_85 = arith.addi %mul3A_83, %add3A_84 : i32
      %mul3A_86 = arith.constant 64 : i32
      %mul3A_87 = arith.muli %add3A_85, %mul3A_86 : i32
      %multiple_of3A_88 = tpu.assume_multiple %mul3A_87, 8 : i32
      %dma_wait3A_89 = tpu.memref_slice %arg5[%multiple_of3A_88] : memref<3200xi32, #tpu.memory_space<vmem>> -> memref<64xi32, #tpu.memory_space<vmem>>
      %dma_wait3A_90 = arith.constant 0 : i32
      %dma_wait3A_91 = arith.constant 0 : i32
      %dma_wait3A_92 = tpu.memref_slice %arg2[%dma_wait3A_90, %dma_wait3A_91] : memref<81600x128xi32, #tpu.memory_space<hbm>> -> memref<81600x128xi32, #tpu.memory_space<hbm>>
      tpu.wait_indirect_dma semaphore(%arg11 : memref<!tpu.dma_semaphore, #tpu.memory_space<semaphore_mem>>) src(%dma_wait3A_92 : memref<81600x128xi32, #tpu.memory_space<hbm>>) dst(%arg6 : memref<64x128xi32, #tpu.memory_space<vmem>>)
      %mul3A_93 = arith.constant 64 : i32
      %mul3A_94 = arith.muli %add3A_85, %mul3A_93 : i32
      %add3A_95 = arith.addi %multiple_of3A, %mul3A_94 : i32
      %multiple_of3A_96 = tpu.assume_multiple %add3A_95, 8 : i32
      "tpu.region"() ({
        %run_scoped3A = tpu.sem_alloc : memref<!tpu.dma_semaphore, #tpu.memory_space<semaphore_mem>>
        %dma_start3A_202 = arith.constant 0 : i32
        %dma_start3A_203 = tpu.memref_slice %arg4[%multiple_of3A_96, %dma_start3A_202] : memref<102400x128xi32, #tpu.memory_space<hbm>> -> memref<64x128xi32, #tpu.memory_space<hbm>>
        %dma_start3A_204 = arith.constant 0 : i32
        %dma_start3A_205 = tpu.memref_slice %arg4[%multiple_of3A_96, %dma_start3A_204] : memref<102400x128xi32, #tpu.memory_space<hbm>> -> memref<64x128xi32, #tpu.memory_space<hbm>>
        tpu.enqueue_dma source(%arg6 : memref<64x128xi32, #tpu.memory_space<vmem>>) target(%dma_start3A_205 : memref<64x128xi32, #tpu.memory_space<hbm>>) target_semaphore(%run_scoped3A : memref<!tpu.dma_semaphore, #tpu.memory_space<semaphore_mem>>)
        %dma_wait3A_206 = arith.constant 0 : i32
        %dma_wait3A_207 = tpu.memref_slice %arg4[%multiple_of3A_96, %dma_wait3A_206] : memref<102400x128xi32, #tpu.memory_space<hbm>> -> memref<64x128xi32, #tpu.memory_space<hbm>>
        %dma_wait3A_208 = arith.constant 0 : i32
        %dma_wait3A_209 = tpu.memref_slice %arg4[%multiple_of3A_96, %dma_wait3A_208] : memref<102400x128xi32, #tpu.memory_space<hbm>> -> memref<64x128xi32, #tpu.memory_space<hbm>>
        tpu.wait_dma2 semaphore(%run_scoped3A : memref<!tpu.dma_semaphore, #tpu.memory_space<semaphore_mem>>) src(%arg6 : memref<64x128xi32, #tpu.memory_space<vmem>>) dst(%dma_wait3A_209 : memref<64x128xi32, #tpu.memory_space<hbm>>)
        tpu.yield
      }) : () -> ()
      %add3A_97 = arith.constant 5 : i32
      %add3A_98 = arith.addi %add3A_85, %add3A_97 : i32
      %mul3A_99 = arith.constant 64 : i32
      %mul3A_100 = arith.muli %add3A_98, %mul3A_99 : i32
      %multiple_of3A_101 = tpu.assume_multiple %mul3A_100, 8 : i32
      %dma_start3A_102 = tpu.memref_slice %arg5[%multiple_of3A_101] : memref<3200xi32, #tpu.memory_space<vmem>> -> memref<64xi32, #tpu.memory_space<vmem>>
      %dma_start3A_103 = arith.constant 0 : i32
      %dma_start3A_104 = arith.constant 0 : i32
      %dma_start3A_105 = tpu.memref_slice %arg2[%dma_start3A_103, %dma_start3A_104] : memref<81600x128xi32, #tpu.memory_space<hbm>> -> memref<81600x128xi32, #tpu.memory_space<hbm>>
      tpu.enqueue_indirect_dma source(%dma_start3A_105 : memref<81600x128xi32, #tpu.memory_space<hbm>>) target(%arg6 : memref<64x128xi32, #tpu.memory_space<vmem>>) offsets(%dma_start3A_102 : memref<64xi32, #tpu.memory_space<vmem>>) semaphore(%arg11 : memref<!tpu.dma_semaphore, #tpu.memory_space<semaphore_mem>>)
      %mul3A_106 = arith.constant 5 : i32
      %mul3A_107 = arith.muli %scan3A_81, %mul3A_106 : i32
      %add3A_108 = arith.constant 1 : i32
      %add3A_109 = arith.addi %mul3A_107, %add3A_108 : i32
      %mul3A_110 = arith.constant 64 : i32
      %mul3A_111 = arith.muli %add3A_109, %mul3A_110 : i32
      %multiple_of3A_112 = tpu.assume_multiple %mul3A_111, 8 : i32
      %dma_wait3A_113 = tpu.memref_slice %arg5[%multiple_of3A_112] : memref<3200xi32, #tpu.memory_space<vmem>> -> memref<64xi32, #tpu.memory_space<vmem>>
      %dma_wait3A_114 = arith.constant 0 : i32
      %dma_wait3A_115 = arith.constant 0 : i32
      %dma_wait3A_116 = tpu.memref_slice %arg2[%dma_wait3A_114, %dma_wait3A_115] : memref<81600x128xi32, #tpu.memory_space<hbm>> -> memref<81600x128xi32, #tpu.memory_space<hbm>>
      tpu.wait_indirect_dma semaphore(%arg12 : memref<!tpu.dma_semaphore, #tpu.memory_space<semaphore_mem>>) src(%dma_wait3A_116 : memref<81600x128xi32, #tpu.memory_space<hbm>>) dst(%arg7 : memref<64x128xi32, #tpu.memory_space<vmem>>)
      %mul3A_117 = arith.constant 64 : i32
      %mul3A_118 = arith.muli %add3A_109, %mul3A_117 : i32
      %add3A_119 = arith.addi %multiple_of3A, %mul3A_118 : i32
      %multiple_of3A_120 = tpu.assume_multiple %add3A_119, 8 : i32
      "tpu.region"() ({
        %run_scoped3A = tpu.sem_alloc : memref<!tpu.dma_semaphore, #tpu.memory_space<semaphore_mem>>
        %dma_start3A_202 = arith.constant 0 : i32
        %dma_start3A_203 = tpu.memref_slice %arg4[%multiple_of3A_120, %dma_start3A_202] : memref<102400x128xi32, #tpu.memory_space<hbm>> -> memref<64x128xi32, #tpu.memory_space<hbm>>
        %dma_start3A_204 = arith.constant 0 : i32
        %dma_start3A_205 = tpu.memref_slice %arg4[%multiple_of3A_120, %dma_start3A_204] : memref<102400x128xi32, #tpu.memory_space<hbm>> -> memref<64x128xi32, #tpu.memory_space<hbm>>
        tpu.enqueue_dma source(%arg7 : memref<64x128xi32, #tpu.memory_space<vmem>>) target(%dma_start3A_205 : memref<64x128xi32, #tpu.memory_space<hbm>>) target_semaphore(%run_scoped3A : memref<!tpu.dma_semaphore, #tpu.memory_space<semaphore_mem>>)
        %dma_wait3A_206 = arith.constant 0 : i32
        %dma_wait3A_207 = tpu.memref_slice %arg4[%multiple_of3A_120, %dma_wait3A_206] : memref<102400x128xi32, #tpu.memory_space<hbm>> -> memref<64x128xi32, #tpu.memory_space<hbm>>
        %dma_wait3A_208 = arith.constant 0 : i32
        %dma_wait3A_209 = tpu.memref_slice %arg4[%multiple_of3A_120, %dma_wait3A_208] : memref<102400x128xi32, #tpu.memory_space<hbm>> -> memref<64x128xi32, #tpu.memory_space<hbm>>
        tpu.wait_dma2 semaphore(%run_scoped3A : memref<!tpu.dma_semaphore, #tpu.memory_space<semaphore_mem>>) src(%arg7 : memref<64x128xi32, #tpu.memory_space<vmem>>) dst(%dma_wait3A_209 : memref<64x128xi32, #tpu.memory_space<hbm>>)
        tpu.yield
      }) : () -> ()
      %add3A_121 = arith.constant 5 : i32
      %add3A_122 = arith.addi %add3A_109, %add3A_121 : i32
      %mul3A_123 = arith.constant 64 : i32
      %mul3A_124 = arith.muli %add3A_122, %mul3A_123 : i32
      %multiple_of3A_125 = tpu.assume_multiple %mul3A_124, 8 : i32
      %dma_start3A_126 = tpu.memref_slice %arg5[%multiple_of3A_125] : memref<3200xi32, #tpu.memory_space<vmem>> -> memref<64xi32, #tpu.memory_space<vmem>>
      %dma_start3A_127 = arith.constant 0 : i32
      %dma_start3A_128 = arith.constant 0 : i32
      %dma_start3A_129 = tpu.memref_slice %arg2[%dma_start3A_127, %dma_start3A_128] : memref<81600x128xi32, #tpu.memory_space<hbm>> -> memref<81600x128xi32, #tpu.memory_space<hbm>>
      tpu.enqueue_indirect_dma source(%dma_start3A_129 : memref<81600x128xi32, #tpu.memory_space<hbm>>) target(%arg7 : memref<64x128xi32, #tpu.memory_space<vmem>>) offsets(%dma_start3A_126 : memref<64xi32, #tpu.memory_space<vmem>>) semaphore(%arg12 : memref<!tpu.dma_semaphore, #tpu.memory_space<semaphore_mem>>)
      %mul3A_130 = arith.constant 5 : i32
      %mul3A_131 = arith.muli %scan3A_81, %mul3A_130 : i32
      %add3A_132 = arith.constant 2 : i32
      %add3A_133 = arith.addi %mul3A_131, %add3A_132 : i32
      %mul3A_134 = arith.constant 64 : i32
      %mul3A_135 = arith.muli %add3A_133, %mul3A_134 : i32
      %multiple_of3A_136 = tpu.assume_multiple %mul3A_135, 8 : i32
      %dma_wait3A_137 = tpu.memref_slice %arg5[%multiple_of3A_136] : memref<3200xi32, #tpu.memory_space<vmem>> -> memref<64xi32, #tpu.memory_space<vmem>>
      %dma_wait3A_138 = arith.constant 0 : i32
      %dma_wait3A_139 = arith.constant 0 : i32
      %dma_wait3A_140 = tpu.memref_slice %arg2[%dma_wait3A_138, %dma_wait3A_139] : memref<81600x128xi32, #tpu.memory_space<hbm>> -> memref<81600x128xi32, #tpu.memory_space<hbm>>
      tpu.wait_indirect_dma semaphore(%arg13 : memref<!tpu.dma_semaphore, #tpu.memory_space<semaphore_mem>>) src(%dma_wait3A_140 : memref<81600x128xi32, #tpu.memory_space<hbm>>) dst(%arg8 : memref<64x128xi32, #tpu.memory_space<vmem>>)
      %mul3A_141 = arith.constant 64 : i32
      %mul3A_142 = arith.muli %add3A_133, %mul3A_141 : i32
      %add3A_143 = arith.addi %multiple_of3A, %mul3A_142 : i32
      %multiple_of3A_144 = tpu.assume_multiple %add3A_143, 8 : i32
      "tpu.region"() ({
        %run_scoped3A = tpu.sem_alloc : memref<!tpu.dma_semaphore, #tpu.memory_space<semaphore_mem>>
        %dma_start3A_202 = arith.constant 0 : i32
        %dma_start3A_203 = tpu.memref_slice %arg4[%multiple_of3A_144, %dma_start3A_202] : memref<102400x128xi32, #tpu.memory_space<hbm>> -> memref<64x128xi32, #tpu.memory_space<hbm>>
        %dma_start3A_204 = arith.constant 0 : i32
        %dma_start3A_205 = tpu.memref_slice %arg4[%multiple_of3A_144, %dma_start3A_204] : memref<102400x128xi32, #tpu.memory_space<hbm>> -> memref<64x128xi32, #tpu.memory_space<hbm>>
        tpu.enqueue_dma source(%arg8 : memref<64x128xi32, #tpu.memory_space<vmem>>) target(%dma_start3A_205 : memref<64x128xi32, #tpu.memory_space<hbm>>) target_semaphore(%run_scoped3A : memref<!tpu.dma_semaphore, #tpu.memory_space<semaphore_mem>>)
        %dma_wait3A_206 = arith.constant 0 : i32
        %dma_wait3A_207 = tpu.memref_slice %arg4[%multiple_of3A_144, %dma_wait3A_206] : memref<102400x128xi32, #tpu.memory_space<hbm>> -> memref<64x128xi32, #tpu.memory_space<hbm>>
        %dma_wait3A_208 = arith.constant 0 : i32
        %dma_wait3A_209 = tpu.memref_slice %arg4[%multiple_of3A_144, %dma_wait3A_208] : memref<102400x128xi32, #tpu.memory_space<hbm>> -> memref<64x128xi32, #tpu.memory_space<hbm>>
        tpu.wait_dma2 semaphore(%run_scoped3A : memref<!tpu.dma_semaphore, #tpu.memory_space<semaphore_mem>>) src(%arg8 : memref<64x128xi32, #tpu.memory_space<vmem>>) dst(%dma_wait3A_209 : memref<64x128xi32, #tpu.memory_space<hbm>>)
        tpu.yield
      }) : () -> ()
      %add3A_145 = arith.constant 5 : i32
      %add3A_146 = arith.addi %add3A_133, %add3A_145 : i32
      %mul3A_147 = arith.constant 64 : i32
      %mul3A_148 = arith.muli %add3A_146, %mul3A_147 : i32
      %multiple_of3A_149 = tpu.assume_multiple %mul3A_148, 8 : i32
      %dma_start3A_150 = tpu.memref_slice %arg5[%multiple_of3A_149] : memref<3200xi32, #tpu.memory_space<vmem>> -> memref<64xi32, #tpu.memory_space<vmem>>
      %dma_start3A_151 = arith.constant 0 : i32
      %dma_start3A_152 = arith.constant 0 : i32
      %dma_start3A_153 = tpu.memref_slice %arg2[%dma_start3A_151, %dma_start3A_152] : memref<81600x128xi32, #tpu.memory_space<hbm>> -> memref<81600x128xi32, #tpu.memory_space<hbm>>
      tpu.enqueue_indirect_dma source(%dma_start3A_153 : memref<81600x128xi32, #tpu.memory_space<hbm>>) target(%arg8 : memref<64x128xi32, #tpu.memory_space<vmem>>) offsets(%dma_start3A_150 : memref<64xi32, #tpu.memory_space<vmem>>) semaphore(%arg13 : memref<!tpu.dma_semaphore, #tpu.memory_space<semaphore_mem>>)
      %mul3A_154 = arith.constant 5 : i32
      %mul3A_155 = arith.muli %scan3A_81, %mul3A_154 : i32
      %add3A_156 = arith.constant 3 : i32
      %add3A_157 = arith.addi %mul3A_155, %add3A_156 : i32
      %mul3A_158 = arith.constant 64 : i32
      %mul3A_159 = arith.muli %add3A_157, %mul3A_158 : i32
      %multiple_of3A_160 = tpu.assume_multiple %mul3A_159, 8 : i32
      %dma_wait3A_161 = tpu.memref_slice %arg5[%multiple_of3A_160] : memref<3200xi32, #tpu.memory_space<vmem>> -> memref<64xi32, #tpu.memory_space<vmem>>
      %dma_wait3A_162 = arith.constant 0 : i32
      %dma_wait3A_163 = arith.constant 0 : i32
      %dma_wait3A_164 = tpu.memref_slice %arg2[%dma_wait3A_162, %dma_wait3A_163] : memref<81600x128xi32, #tpu.memory_space<hbm>> -> memref<81600x128xi32, #tpu.memory_space<hbm>>
      tpu.wait_indirect_dma semaphore(%arg14 : memref<!tpu.dma_semaphore, #tpu.memory_space<semaphore_mem>>) src(%dma_wait3A_164 : memref<81600x128xi32, #tpu.memory_space<hbm>>) dst(%arg9 : memref<64x128xi32, #tpu.memory_space<vmem>>)
      %mul3A_165 = arith.constant 64 : i32
      %mul3A_166 = arith.muli %add3A_157, %mul3A_165 : i32
      %add3A_167 = arith.addi %multiple_of3A, %mul3A_166 : i32
      %multiple_of3A_168 = tpu.assume_multiple %add3A_167, 8 : i32
      "tpu.region"() ({
        %run_scoped3A = tpu.sem_alloc : memref<!tpu.dma_semaphore, #tpu.memory_space<semaphore_mem>>
        %dma_start3A_202 = arith.constant 0 : i32
        %dma_start3A_203 = tpu.memref_slice %arg4[%multiple_of3A_168, %dma_start3A_202] : memref<102400x128xi32, #tpu.memory_space<hbm>> -> memref<64x128xi32, #tpu.memory_space<hbm>>
        %dma_start3A_204 = arith.constant 0 : i32
        %dma_start3A_205 = tpu.memref_slice %arg4[%multiple_of3A_168, %dma_start3A_204] : memref<102400x128xi32, #tpu.memory_space<hbm>> -> memref<64x128xi32, #tpu.memory_space<hbm>>
        tpu.enqueue_dma source(%arg9 : memref<64x128xi32, #tpu.memory_space<vmem>>) target(%dma_start3A_205 : memref<64x128xi32, #tpu.memory_space<hbm>>) target_semaphore(%run_scoped3A : memref<!tpu.dma_semaphore, #tpu.memory_space<semaphore_mem>>)
        %dma_wait3A_206 = arith.constant 0 : i32
        %dma_wait3A_207 = tpu.memref_slice %arg4[%multiple_of3A_168, %dma_wait3A_206] : memref<102400x128xi32, #tpu.memory_space<hbm>> -> memref<64x128xi32, #tpu.memory_space<hbm>>
        %dma_wait3A_208 = arith.constant 0 : i32
        %dma_wait3A_209 = tpu.memref_slice %arg4[%multiple_of3A_168, %dma_wait3A_208] : memref<102400x128xi32, #tpu.memory_space<hbm>> -> memref<64x128xi32, #tpu.memory_space<hbm>>
        tpu.wait_dma2 semaphore(%run_scoped3A : memref<!tpu.dma_semaphore, #tpu.memory_space<semaphore_mem>>) src(%arg9 : memref<64x128xi32, #tpu.memory_space<vmem>>) dst(%dma_wait3A_209 : memref<64x128xi32, #tpu.memory_space<hbm>>)
        tpu.yield
      }) : () -> ()
      %add3A_169 = arith.constant 5 : i32
      %add3A_170 = arith.addi %add3A_157, %add3A_169 : i32
      %mul3A_171 = arith.constant 64 : i32
      %mul3A_172 = arith.muli %add3A_170, %mul3A_171 : i32
      %multiple_of3A_173 = tpu.assume_multiple %mul3A_172, 8 : i32
      %dma_start3A_174 = tpu.memref_slice %arg5[%multiple_of3A_173] : memref<3200xi32, #tpu.memory_space<vmem>> -> memref<64xi32, #tpu.memory_space<vmem>>
      %dma_start3A_175 = arith.constant 0 : i32
      %dma_start3A_176 = arith.constant 0 : i32
      %dma_start3A_177 = tpu.memref_slice %arg2[%dma_start3A_175, %dma_start3A_176] : memref<81600x128xi32, #tpu.memory_space<hbm>> -> memref<81600x128xi32, #tpu.memory_space<hbm>>
      tpu.enqueue_indirect_dma source(%dma_start3A_177 : memref<81600x128xi32, #tpu.memory_space<hbm>>) target(%arg9 : memref<64x128xi32, #tpu.memory_space<vmem>>) offsets(%dma_start3A_174 : memref<64xi32, #tpu.memory_space<vmem>>) semaphore(%arg14 : memref<!tpu.dma_semaphore, #tpu.memory_space<semaphore_mem>>)
      %mul3A_178 = arith.constant 5 : i32
      %mul3A_179 = arith.muli %scan3A_81, %mul3A_178 : i32
      %add3A_180 = arith.constant 4 : i32
      %add3A_181 = arith.addi %mul3A_179, %add3A_180 : i32
      %mul3A_182 = arith.constant 64 : i32
      %mul3A_183 = arith.muli %add3A_181, %mul3A_182 : i32
      %multiple_of3A_184 = tpu.assume_multiple %mul3A_183, 8 : i32
      %dma_wait3A_185 = tpu.memref_slice %arg5[%multiple_of3A_184] : memref<3200xi32, #tpu.memory_space<vmem>> -> memref<64xi32, #tpu.memory_space<vmem>>
      %dma_wait3A_186 = arith.constant 0 : i32
      %dma_wait3A_187 = arith.constant 0 : i32
      %dma_wait3A_188 = tpu.memref_slice %arg2[%dma_wait3A_186, %dma_wait3A_187] : memref<81600x128xi32, #tpu.memory_space<hbm>> -> memref<81600x128xi32, #tpu.memory_space<hbm>>
      tpu.wait_indirect_dma semaphore(%arg15 : memref<!tpu.dma_semaphore, #tpu.memory_space<semaphore_mem>>) src(%dma_wait3A_188 : memref<81600x128xi32, #tpu.memory_space<hbm>>) dst(%arg10 : memref<64x128xi32, #tpu.memory_space<vmem>>)
      %mul3A_189 = arith.constant 64 : i32
      %mul3A_190 = arith.muli %add3A_181, %mul3A_189 : i32
      %add3A_191 = arith.addi %multiple_of3A, %mul3A_190 : i32
      %multiple_of3A_192 = tpu.assume_multiple %add3A_191, 8 : i32
      "tpu.region"() ({
        %run_scoped3A = tpu.sem_alloc : memref<!tpu.dma_semaphore, #tpu.memory_space<semaphore_mem>>
        %dma_start3A_202 = arith.constant 0 : i32
        %dma_start3A_203 = tpu.memref_slice %arg4[%multiple_of3A_192, %dma_start3A_202] : memref<102400x128xi32, #tpu.memory_space<hbm>> -> memref<64x128xi32, #tpu.memory_space<hbm>>
        %dma_start3A_204 = arith.constant 0 : i32
        %dma_start3A_205 = tpu.memref_slice %arg4[%multiple_of3A_192, %dma_start3A_204] : memref<102400x128xi32, #tpu.memory_space<hbm>> -> memref<64x128xi32, #tpu.memory_space<hbm>>
        tpu.enqueue_dma source(%arg10 : memref<64x128xi32, #tpu.memory_space<vmem>>) target(%dma_start3A_205 : memref<64x128xi32, #tpu.memory_space<hbm>>) target_semaphore(%run_scoped3A : memref<!tpu.dma_semaphore, #tpu.memory_space<semaphore_mem>>)
        %dma_wait3A_206 = arith.constant 0 : i32
        %dma_wait3A_207 = tpu.memref_slice %arg4[%multiple_of3A_192, %dma_wait3A_206] : memref<102400x128xi32, #tpu.memory_space<hbm>> -> memref<64x128xi32, #tpu.memory_space<hbm>>
        %dma_wait3A_208 = arith.constant 0 : i32
        %dma_wait3A_209 = tpu.memref_slice %arg4[%multiple_of3A_192, %dma_wait3A_208] : memref<102400x128xi32, #tpu.memory_space<hbm>> -> memref<64x128xi32, #tpu.memory_space<hbm>>
        tpu.wait_dma2 semaphore(%run_scoped3A : memref<!tpu.dma_semaphore, #tpu.memory_space<semaphore_mem>>) src(%arg10 : memref<64x128xi32, #tpu.memory_space<vmem>>) dst(%dma_wait3A_209 : memref<64x128xi32, #tpu.memory_space<hbm>>)
        tpu.yield
      }) : () -> ()
      %add3A_193 = arith.constant 5 : i32
      %add3A_194 = arith.addi %add3A_181, %add3A_193 : i32
      %mul3A_195 = arith.constant 64 : i32
      %mul3A_196 = arith.muli %add3A_194, %mul3A_195 : i32
      %multiple_of3A_197 = tpu.assume_multiple %mul3A_196, 8 : i32
      %dma_start3A_198 = tpu.memref_slice %arg5[%multiple_of3A_197] : memref<3200xi32, #tpu.memory_space<vmem>> -> memref<64xi32, #tpu.memory_space<vmem>>
      %dma_start3A_199 = arith.constant 0 : i32
      %dma_start3A_200 = arith.constant 0 : i32
      %dma_start3A_201 = tpu.memref_slice %arg2[%dma_start3A_199, %dma_start3A_200] : memref<81600x128xi32, #tpu.memory_space<hbm>> -> memref<81600x128xi32, #tpu.memory_space<hbm>>
      tpu.enqueue_indirect_dma source(%dma_start3A_201 : memref<81600x128xi32, #tpu.memory_space<hbm>>) target(%arg10 : memref<64x128xi32, #tpu.memory_space<vmem>>) offsets(%dma_start3A_198 : memref<64xi32, #tpu.memory_space<vmem>>) semaphore(%arg15 : memref<!tpu.dma_semaphore, #tpu.memory_space<semaphore_mem>>)
    }
    %scan3A_36 = arith.constant 9 : i32
    %multiple_of3A_37 = arith.constant 2880 : i32
    %multiple_of3A_38 = tpu.assume_multiple %multiple_of3A_37, 8 : i32
    %dma_wait3A = tpu.memref_slice %arg5[%multiple_of3A_38] : memref<3200xi32, #tpu.memory_space<vmem>> -> memref<64xi32, #tpu.memory_space<vmem>>
    %dma_wait3A_39 = arith.constant 0 : i32
    %dma_wait3A_40 = arith.constant 0 : i32
    %dma_wait3A_41 = tpu.memref_slice %arg2[%dma_wait3A_39, %dma_wait3A_40] : memref<81600x128xi32, #tpu.memory_space<hbm>> -> memref<81600x128xi32, #tpu.memory_space<hbm>>
    tpu.wait_indirect_dma semaphore(%arg11 : memref<!tpu.dma_semaphore, #tpu.memory_space<semaphore_mem>>) src(%dma_wait3A_41 : memref<81600x128xi32, #tpu.memory_space<hbm>>) dst(%arg6 : memref<64x128xi32, #tpu.memory_space<vmem>>)
    %add3A_42 = arith.constant 2880 : i32
    %add3A_43 = arith.addi %multiple_of3A, %add3A_42 : i32
    %multiple_of3A_44 = tpu.assume_multiple %add3A_43, 8 : i32
    "tpu.region"() ({
      %run_scoped3A = tpu.sem_alloc : memref<!tpu.dma_semaphore, #tpu.memory_space<semaphore_mem>>
      %dma_start3A_81 = arith.constant 0 : i32
      %dma_start3A_82 = tpu.memref_slice %arg4[%multiple_of3A_44, %dma_start3A_81] : memref<102400x128xi32, #tpu.memory_space<hbm>> -> memref<64x128xi32, #tpu.memory_space<hbm>>
      %dma_start3A_83 = arith.constant 0 : i32
      %dma_start3A_84 = tpu.memref_slice %arg4[%multiple_of3A_44, %dma_start3A_83] : memref<102400x128xi32, #tpu.memory_space<hbm>> -> memref<64x128xi32, #tpu.memory_space<hbm>>
      tpu.enqueue_dma source(%arg6 : memref<64x128xi32, #tpu.memory_space<vmem>>) target(%dma_start3A_84 : memref<64x128xi32, #tpu.memory_space<hbm>>) target_semaphore(%run_scoped3A : memref<!tpu.dma_semaphore, #tpu.memory_space<semaphore_mem>>)
      %dma_wait3A_85 = arith.constant 0 : i32
      %dma_wait3A_86 = tpu.memref_slice %arg4[%multiple_of3A_44, %dma_wait3A_85] : memref<102400x128xi32, #tpu.memory_space<hbm>> -> memref<64x128xi32, #tpu.memory_space<hbm>>
      %dma_wait3A_87 = arith.constant 0 : i32
      %dma_wait3A_88 = tpu.memref_slice %arg4[%multiple_of3A_44, %dma_wait3A_87] : memref<102400x128xi32, #tpu.memory_space<hbm>> -> memref<64x128xi32, #tpu.memory_space<hbm>>
      tpu.wait_dma2 semaphore(%run_scoped3A : memref<!tpu.dma_semaphore, #tpu.memory_space<semaphore_mem>>) src(%arg6 : memref<64x128xi32, #tpu.memory_space<vmem>>) dst(%dma_wait3A_88 : memref<64x128xi32, #tpu.memory_space<hbm>>)
      tpu.yield
    }) : () -> ()
    %multiple_of3A_45 = arith.constant 2944 : i32
    %multiple_of3A_46 = tpu.assume_multiple %multiple_of3A_45, 8 : i32
    %dma_wait3A_47 = tpu.memref_slice %arg5[%multiple_of3A_46] : memref<3200xi32, #tpu.memory_space<vmem>> -> memref<64xi32, #tpu.memory_space<vmem>>
    %dma_wait3A_48 = arith.constant 0 : i32
    %dma_wait3A_49 = arith.constant 0 : i32
    %dma_wait3A_50 = tpu.memref_slice %arg2[%dma_wait3A_48, %dma_wait3A_49] : memref<81600x128xi32, #tpu.memory_space<hbm>> -> memref<81600x128xi32, #tpu.memory_space<hbm>>
    tpu.wait_indirect_dma semaphore(%arg12 : memref<!tpu.dma_semaphore, #tpu.memory_space<semaphore_mem>>) src(%dma_wait3A_50 : memref<81600x128xi32, #tpu.memory_space<hbm>>) dst(%arg7 : memref<64x128xi32, #tpu.memory_space<vmem>>)
    %add3A_51 = arith.constant 2944 : i32
    %add3A_52 = arith.addi %multiple_of3A, %add3A_51 : i32
    %multiple_of3A_53 = tpu.assume_multiple %add3A_52, 8 : i32
    "tpu.region"() ({
      %run_scoped3A = tpu.sem_alloc : memref<!tpu.dma_semaphore, #tpu.memory_space<semaphore_mem>>
      %dma_start3A_81 = arith.constant 0 : i32
      %dma_start3A_82 = tpu.memref_slice %arg4[%multiple_of3A_53, %dma_start3A_81] : memref<102400x128xi32, #tpu.memory_space<hbm>> -> memref<64x128xi32, #tpu.memory_space<hbm>>
      %dma_start3A_83 = arith.constant 0 : i32
      %dma_start3A_84 = tpu.memref_slice %arg4[%multiple_of3A_53, %dma_start3A_83] : memref<102400x128xi32, #tpu.memory_space<hbm>> -> memref<64x128xi32, #tpu.memory_space<hbm>>
      tpu.enqueue_dma source(%arg7 : memref<64x128xi32, #tpu.memory_space<vmem>>) target(%dma_start3A_84 : memref<64x128xi32, #tpu.memory_space<hbm>>) target_semaphore(%run_scoped3A : memref<!tpu.dma_semaphore, #tpu.memory_space<semaphore_mem>>)
      %dma_wait3A_85 = arith.constant 0 : i32
      %dma_wait3A_86 = tpu.memref_slice %arg4[%multiple_of3A_53, %dma_wait3A_85] : memref<102400x128xi32, #tpu.memory_space<hbm>> -> memref<64x128xi32, #tpu.memory_space<hbm>>
      %dma_wait3A_87 = arith.constant 0 : i32
      %dma_wait3A_88 = tpu.memref_slice %arg4[%multiple_of3A_53, %dma_wait3A_87] : memref<102400x128xi32, #tpu.memory_space<hbm>> -> memref<64x128xi32, #tpu.memory_space<hbm>>
      tpu.wait_dma2 semaphore(%run_scoped3A : memref<!tpu.dma_semaphore, #tpu.memory_space<semaphore_mem>>) src(%arg7 : memref<64x128xi32, #tpu.memory_space<vmem>>) dst(%dma_wait3A_88 : memref<64x128xi32, #tpu.memory_space<hbm>>)
      tpu.yield
    }) : () -> ()
    %multiple_of3A_54 = arith.constant 3008 : i32
    %multiple_of3A_55 = tpu.assume_multiple %multiple_of3A_54, 8 : i32
    %dma_wait3A_56 = tpu.memref_slice %arg5[%multiple_of3A_55] : memref<3200xi32, #tpu.memory_space<vmem>> -> memref<64xi32, #tpu.memory_space<vmem>>
    %dma_wait3A_57 = arith.constant 0 : i32
    %dma_wait3A_58 = arith.constant 0 : i32
    %dma_wait3A_59 = tpu.memref_slice %arg2[%dma_wait3A_57, %dma_wait3A_58] : memref<81600x128xi32, #tpu.memory_space<hbm>> -> memref<81600x128xi32, #tpu.memory_space<hbm>>
    tpu.wait_indirect_dma semaphore(%arg13 : memref<!tpu.dma_semaphore, #tpu.memory_space<semaphore_mem>>) src(%dma_wait3A_59 : memref<81600x128xi32, #tpu.memory_space<hbm>>) dst(%arg8 : memref<64x128xi32, #tpu.memory_space<vmem>>)
    %add3A_60 = arith.constant 3008 : i32
    %add3A_61 = arith.addi %multiple_of3A, %add3A_60 : i32
    %multiple_of3A_62 = tpu.assume_multiple %add3A_61, 8 : i32
    "tpu.region"() ({
      %run_scoped3A = tpu.sem_alloc : memref<!tpu.dma_semaphore, #tpu.memory_space<semaphore_mem>>
      %dma_start3A_81 = arith.constant 0 : i32
      %dma_start3A_82 = tpu.memref_slice %arg4[%multiple_of3A_62, %dma_start3A_81] : memref<102400x128xi32, #tpu.memory_space<hbm>> -> memref<64x128xi32, #tpu.memory_space<hbm>>
      %dma_start3A_83 = arith.constant 0 : i32
      %dma_start3A_84 = tpu.memref_slice %arg4[%multiple_of3A_62, %dma_start3A_83] : memref<102400x128xi32, #tpu.memory_space<hbm>> -> memref<64x128xi32, #tpu.memory_space<hbm>>
      tpu.enqueue_dma source(%arg8 : memref<64x128xi32, #tpu.memory_space<vmem>>) target(%dma_start3A_84 : memref<64x128xi32, #tpu.memory_space<hbm>>) target_semaphore(%run_scoped3A : memref<!tpu.dma_semaphore, #tpu.memory_space<semaphore_mem>>)
      %dma_wait3A_85 = arith.constant 0 : i32
      %dma_wait3A_86 = tpu.memref_slice %arg4[%multiple_of3A_62, %dma_wait3A_85] : memref<102400x128xi32, #tpu.memory_space<hbm>> -> memref<64x128xi32, #tpu.memory_space<hbm>>
      %dma_wait3A_87 = arith.constant 0 : i32
      %dma_wait3A_88 = tpu.memref_slice %arg4[%multiple_of3A_62, %dma_wait3A_87] : memref<102400x128xi32, #tpu.memory_space<hbm>> -> memref<64x128xi32, #tpu.memory_space<hbm>>
      tpu.wait_dma2 semaphore(%run_scoped3A : memref<!tpu.dma_semaphore, #tpu.memory_space<semaphore_mem>>) src(%arg8 : memref<64x128xi32, #tpu.memory_space<vmem>>) dst(%dma_wait3A_88 : memref<64x128xi32, #tpu.memory_space<hbm>>)
      tpu.yield
    }) : () -> ()
    %multiple_of3A_63 = arith.constant 3072 : i32
    %multiple_of3A_64 = tpu.assume_multiple %multiple_of3A_63, 8 : i32
    %dma_wait3A_65 = tpu.memref_slice %arg5[%multiple_of3A_64] : memref<3200xi32, #tpu.memory_space<vmem>> -> memref<64xi32, #tpu.memory_space<vmem>>
    %dma_wait3A_66 = arith.constant 0 : i32
    %dma_wait3A_67 = arith.constant 0 : i32
    %dma_wait3A_68 = tpu.memref_slice %arg2[%dma_wait3A_66, %dma_wait3A_67] : memref<81600x128xi32, #tpu.memory_space<hbm>> -> memref<81600x128xi32, #tpu.memory_space<hbm>>
    tpu.wait_indirect_dma semaphore(%arg14 : memref<!tpu.dma_semaphore, #tpu.memory_space<semaphore_mem>>) src(%dma_wait3A_68 : memref<81600x128xi32, #tpu.memory_space<hbm>>) dst(%arg9 : memref<64x128xi32, #tpu.memory_space<vmem>>)
    %add3A_69 = arith.constant 3072 : i32
    %add3A_70 = arith.addi %multiple_of3A, %add3A_69 : i32
    %multiple_of3A_71 = tpu.assume_multiple %add3A_70, 8 : i32
    "tpu.region"() ({
      %run_scoped3A = tpu.sem_alloc : memref<!tpu.dma_semaphore, #tpu.memory_space<semaphore_mem>>
      %dma_start3A_81 = arith.constant 0 : i32
      %dma_start3A_82 = tpu.memref_slice %arg4[%multiple_of3A_71, %dma_start3A_81] : memref<102400x128xi32, #tpu.memory_space<hbm>> -> memref<64x128xi32, #tpu.memory_space<hbm>>
      %dma_start3A_83 = arith.constant 0 : i32
      %dma_start3A_84 = tpu.memref_slice %arg4[%multiple_of3A_71, %dma_start3A_83] : memref<102400x128xi32, #tpu.memory_space<hbm>> -> memref<64x128xi32, #tpu.memory_space<hbm>>
      tpu.enqueue_dma source(%arg9 : memref<64x128xi32, #tpu.memory_space<vmem>>) target(%dma_start3A_84 : memref<64x128xi32, #tpu.memory_space<hbm>>) target_semaphore(%run_scoped3A : memref<!tpu.dma_semaphore, #tpu.memory_space<semaphore_mem>>)
      %dma_wait3A_85 = arith.constant 0 : i32
      %dma_wait3A_86 = tpu.memref_slice %arg4[%multiple_of3A_71, %dma_wait3A_85] : memref<102400x128xi32, #tpu.memory_space<hbm>> -> memref<64x128xi32, #tpu.memory_space<hbm>>
      %dma_wait3A_87 = arith.constant 0 : i32
      %dma_wait3A_88 = tpu.memref_slice %arg4[%multiple_of3A_71, %dma_wait3A_87] : memref<102400x128xi32, #tpu.memory_space<hbm>> -> memref<64x128xi32, #tpu.memory_space<hbm>>
      tpu.wait_dma2 semaphore(%run_scoped3A : memref<!tpu.dma_semaphore, #tpu.memory_space<semaphore_mem>>) src(%arg9 : memref<64x128xi32, #tpu.memory_space<vmem>>) dst(%dma_wait3A_88 : memref<64x128xi32, #tpu.memory_space<hbm>>)
      tpu.yield
    }) : () -> ()
    %multiple_of3A_72 = arith.constant 3136 : i32
    %multiple_of3A_73 = tpu.assume_multiple %multiple_of3A_72, 8 : i32
    %dma_wait3A_74 = tpu.memref_slice %arg5[%multiple_of3A_73] : memref<3200xi32, #tpu.memory_space<vmem>> -> memref<64xi32, #tpu.memory_space<vmem>>
    %dma_wait3A_75 = arith.constant 0 : i32
    %dma_wait3A_76 = arith.constant 0 : i32
    %dma_wait3A_77 = tpu.memref_slice %arg2[%dma_wait3A_75, %dma_wait3A_76] : memref<81600x128xi32, #tpu.memory_space<hbm>> -> memref<81600x128xi32, #tpu.memory_space<hbm>>
    tpu.wait_indirect_dma semaphore(%arg15 : memref<!tpu.dma_semaphore, #tpu.memory_space<semaphore_mem>>) src(%dma_wait3A_77 : memref<81600x128xi32, #tpu.memory_space<hbm>>) dst(%arg10 : memref<64x128xi32, #tpu.memory_space<vmem>>)
    %add3A_78 = arith.constant 3136 : i32
    %add3A_79 = arith.addi %multiple_of3A, %add3A_78 : i32
    %multiple_of3A_80 = tpu.assume_multiple %add3A_79, 8 : i32
    "tpu.region"() ({
      %run_scoped3A = tpu.sem_alloc : memref<!tpu.dma_semaphore, #tpu.memory_space<semaphore_mem>>
      %dma_start3A_81 = arith.constant 0 : i32
      %dma_start3A_82 = tpu.memref_slice %arg4[%multiple_of3A_80, %dma_start3A_81] : memref<102400x128xi32, #tpu.memory_space<hbm>> -> memref<64x128xi32, #tpu.memory_space<hbm>>
      %dma_start3A_83 = arith.constant 0 : i32
      %dma_start3A_84 = tpu.memref_slice %arg4[%multiple_of3A_80, %dma_start3A_83] : memref<102400x128xi32, #tpu.memory_space<hbm>> -> memref<64x128xi32, #tpu.memory_space<hbm>>
      tpu.enqueue_dma source(%arg10 : memref<64x128xi32, #tpu.memory_space<vmem>>) target(%dma_start3A_84 : memref<64x128xi32, #tpu.memory_space<hbm>>) target_semaphore(%run_scoped3A : memref<!tpu.dma_semaphore, #tpu.memory_space<semaphore_mem>>)
      %dma_wait3A_85 = arith.constant 0 : i32
      %dma_wait3A_86 = tpu.memref_slice %arg4[%multiple_of3A_80, %dma_wait3A_85] : memref<102400x128xi32, #tpu.memory_space<hbm>> -> memref<64x128xi32, #tpu.memory_space<hbm>>
      %dma_wait3A_87 = arith.constant 0 : i32
      %dma_wait3A_88 = tpu.memref_slice %arg4[%multiple_of3A_80, %dma_wait3A_87] : memref<102400x128xi32, #tpu.memory_space<hbm>> -> memref<64x128xi32, #tpu.memory_space<hbm>>
      tpu.wait_dma2 semaphore(%run_scoped3A : memref<!tpu.dma_semaphore, #tpu.memory_space<semaphore_mem>>) src(%arg10 : memref<64x128xi32, #tpu.memory_space<vmem>>) dst(%dma_wait3A_88 : memref<64x128xi32, #tpu.memory_space<hbm>>)
      tpu.yield
    }) : () -> ()
    return
  }
}

module attributes {stable_mosaic.version = 14 : i64} {
  func.func @_index_body(%arg0: memref<4x1024xf32, #tpu.memory_space<vmem>>, %arg1: memref<49x1024xi32, #tpu.memory_space<vmem>>, %arg2: memref<49x1024xi32, #tpu.memory_space<vmem>>, %arg3: memref<49x1024xi32, #tpu.memory_space<vmem>>, %arg4: memref<49x1024xi32, #tpu.memory_space<vmem>>, %arg5: memref<49x1024xf32, #tpu.memory_space<vmem>>, %arg6: memref<49x1024xf32, #tpu.memory_space<vmem>>, %arg7: memref<49x1024xf32, #tpu.memory_space<vmem>>, %arg8: memref<49x1024xf32, #tpu.memory_space<vmem>>) attributes {dimension_semantics = [], scalar_prefetch = 0 : i64, scratch_operands = 0 : i64, tpu.core_type = #tpu.core_type<tc>} {
    %get3A = arith.constant 0 : index
    %get3A_0 = arith.constant 0 : index
    %get3A_1 = vector.load %arg0[%get3A, %get3A_0] : memref<4x1024xf32, #tpu.memory_space<vmem>>, vector<4x1024xf32>
    %slice3A = vector.extract_strided_slice %get3A_1 {offsets = [0, 0], sizes = [1, 1024], strides = [1, 1]} : vector<4x1024xf32> to vector<1x1024xf32>
    %slice3A_2 = vector.extract_strided_slice %get3A_1 {offsets = [1, 0], sizes = [1, 1024], strides = [1, 1]} : vector<4x1024xf32> to vector<1x1024xf32>
    %slice3A_3 = vector.extract_strided_slice %get3A_1 {offsets = [2, 0], sizes = [1, 1024], strides = [1, 1]} : vector<4x1024xf32> to vector<1x1024xf32>
    %slice3A_4 = vector.extract_strided_slice %get3A_1 {offsets = [3, 0], sizes = [1, 1024], strides = [1, 1]} : vector<4x1024xf32> to vector<1x1024xf32>
    %sub3A = arith.subf %slice3A_3, %slice3A : vector<1x1024xf32>
    %max3A = arith.constant 0.000000e+00 : f32
    %max3A_5 = vector.broadcast %max3A : f32 to vector<1x1024xf32>
    %max3A_6 = arith.maximumf %sub3A, %max3A_5 : vector<1x1024xf32>
    %sub3A_7 = arith.subf %slice3A_4, %slice3A_2 : vector<1x1024xf32>
    %max3A_8 = arith.constant 0.000000e+00 : f32
    %max3A_9 = vector.broadcast %max3A_8 : f32 to vector<1x1024xf32>
    %max3A_10 = arith.maximumf %sub3A_7, %max3A_9 : vector<1x1024xf32>
    %mul3A = arith.mulf %max3A_6, %max3A_10 : vector<1x1024xf32>
    %sqrt3A = math.sqrt %mul3A : vector<1x1024xf32>
    %div3A = arith.constant 2.240000e+02 : f32
    %div3A_11 = vector.broadcast %div3A : f32 to vector<1x1024xf32>
    %div3A_12 = arith.divf %sqrt3A, %div3A_11 : vector<1x1024xf32>
    %add3A = arith.constant 9.99999993E-9 : f32
    %add3A_13 = vector.broadcast %add3A : f32 to vector<1x1024xf32>
    %add3A_14 = arith.addf %div3A_12, %add3A_13 : vector<1x1024xf32>
    %log3A = math.log %add3A_14 : vector<1x1024xf32>
    %log3A_15 = arith.constant 2.000000e+00 : f32
    %log3A_16 = math.log %log3A_15 : f32
    %div3A_17 = vector.broadcast %log3A_16 : f32 to vector<1x1024xf32>
    %div3A_18 = arith.divf %log3A, %div3A_17 : vector<1x1024xf32>
    %add3A_19 = arith.constant 4.000000e+00 : f32
    %add3A_20 = vector.broadcast %add3A_19 : f32 to vector<1x1024xf32>
    %add3A_21 = arith.addf %add3A_20, %div3A_18 : vector<1x1024xf32>
    %floor3A = math.floor %add3A_21 : vector<1x1024xf32>
    %jit3A = arith.constant 2.000000e+00 : f32
    %jit3A_22 = arith.constant 5.000000e+00 : f32
    %max3A_23 = vector.broadcast %jit3A : f32 to vector<1x1024xf32>
    %max3A_24 = arith.maximumf %max3A_23, %floor3A : vector<1x1024xf32>
    %min3A = vector.broadcast %jit3A_22 : f32 to vector<1x1024xf32>
    %min3A_25 = arith.minimumf %min3A, %max3A_24 : vector<1x1024xf32>
    %convert_element_type3A = arith.fptosi %min3A_25 : vector<1x1024xf32> to vector<1x1024xi32>
    %sub3A_26 = arith.constant 2 : i32
    %sub3A_27 = vector.broadcast %sub3A_26 : i32 to vector<1x1024xi32>
    %sub3A_28 = arith.subi %convert_element_type3A, %sub3A_27 : vector<1x1024xi32>
    %broadcast_in_dim3A = arith.constant 3.125000e-02 : f32
    %broadcast_in_dim3A_29 = vector.broadcast %broadcast_in_dim3A : f32 to vector<1x1024xf32>
    %eq3A = arith.constant 2 : i32
    %eq3A_30 = vector.broadcast %eq3A : i32 to vector<1x1024xi32>
    %eq3A_31 = arith.cmpi eq, %sub3A_28, %eq3A_30 : vector<1x1024xi32>
    %jit3A_32 = arith.constant 6.250000e-02 : f32
    %broadcast_in_dim3A_33 = vector.broadcast %jit3A_32 : f32 to vector<1x1024xf32>
    %select_n3A = arith.select %eq3A_31, %broadcast_in_dim3A_33, %broadcast_in_dim3A_29 : vector<1x1024xi1>, vector<1x1024xf32>
    %eq3A_34 = arith.constant 1 : i32
    %eq3A_35 = vector.broadcast %eq3A_34 : i32 to vector<1x1024xi32>
    %eq3A_36 = arith.cmpi eq, %sub3A_28, %eq3A_35 : vector<1x1024xi32>
    %jit3A_37 = arith.constant 1.250000e-01 : f32
    %broadcast_in_dim3A_38 = vector.broadcast %jit3A_37 : f32 to vector<1x1024xf32>
    %select_n3A_39 = arith.select %eq3A_36, %broadcast_in_dim3A_38, %select_n3A : vector<1x1024xi1>, vector<1x1024xf32>
    %eq3A_40 = arith.constant 0 : i32
    %eq3A_41 = vector.broadcast %eq3A_40 : i32 to vector<1x1024xi32>
    %eq3A_42 = arith.cmpi eq, %sub3A_28, %eq3A_41 : vector<1x1024xi32>
    %jit3A_43 = arith.constant 2.500000e-01 : f32
    %broadcast_in_dim3A_44 = vector.broadcast %jit3A_43 : f32 to vector<1x1024xf32>
    %select_n3A_45 = arith.select %eq3A_42, %broadcast_in_dim3A_44, %select_n3A_39 : vector<1x1024xi1>, vector<1x1024xf32>
    %broadcast_in_dim3A_46 = arith.constant 2.400000e+01 : f32
    %broadcast_in_dim3A_47 = vector.broadcast %broadcast_in_dim3A_46 : f32 to vector<1x1024xf32>
    %eq3A_48 = arith.constant 2 : i32
    %eq3A_49 = vector.broadcast %eq3A_48 : i32 to vector<1x1024xi32>
    %eq3A_50 = arith.cmpi eq, %sub3A_28, %eq3A_49 : vector<1x1024xi32>
    %jit3A_51 = arith.constant 4.800000e+01 : f32
    %broadcast_in_dim3A_52 = vector.broadcast %jit3A_51 : f32 to vector<1x1024xf32>
    %select_n3A_53 = arith.select %eq3A_50, %broadcast_in_dim3A_52, %broadcast_in_dim3A_47 : vector<1x1024xi1>, vector<1x1024xf32>
    %eq3A_54 = arith.constant 1 : i32
    %eq3A_55 = vector.broadcast %eq3A_54 : i32 to vector<1x1024xi32>
    %eq3A_56 = arith.cmpi eq, %sub3A_28, %eq3A_55 : vector<1x1024xi32>
    %jit3A_57 = arith.constant 9.600000e+01 : f32
    %broadcast_in_dim3A_58 = vector.broadcast %jit3A_57 : f32 to vector<1x1024xf32>
    %select_n3A_59 = arith.select %eq3A_56, %broadcast_in_dim3A_58, %select_n3A_53 : vector<1x1024xi1>, vector<1x1024xf32>
    %eq3A_60 = arith.constant 0 : i32
    %eq3A_61 = vector.broadcast %eq3A_60 : i32 to vector<1x1024xi32>
    %eq3A_62 = arith.cmpi eq, %sub3A_28, %eq3A_61 : vector<1x1024xi32>
    %jit3A_63 = arith.constant 1.920000e+02 : f32
    %broadcast_in_dim3A_64 = vector.broadcast %jit3A_63 : f32 to vector<1x1024xf32>
    %select_n3A_65 = arith.select %eq3A_62, %broadcast_in_dim3A_64, %select_n3A_59 : vector<1x1024xi1>, vector<1x1024xf32>
    %broadcast_in_dim3A_66 = arith.constant 4.000000e+01 : f32
    %broadcast_in_dim3A_67 = vector.broadcast %broadcast_in_dim3A_66 : f32 to vector<1x1024xf32>
    %eq3A_68 = arith.constant 2 : i32
    %eq3A_69 = vector.broadcast %eq3A_68 : i32 to vector<1x1024xi32>
    %eq3A_70 = arith.cmpi eq, %sub3A_28, %eq3A_69 : vector<1x1024xi32>
    %jit3A_71 = arith.constant 8.000000e+01 : f32
    %broadcast_in_dim3A_72 = vector.broadcast %jit3A_71 : f32 to vector<1x1024xf32>
    %select_n3A_73 = arith.select %eq3A_70, %broadcast_in_dim3A_72, %broadcast_in_dim3A_67 : vector<1x1024xi1>, vector<1x1024xf32>
    %eq3A_74 = arith.constant 1 : i32
    %eq3A_75 = vector.broadcast %eq3A_74 : i32 to vector<1x1024xi32>
    %eq3A_76 = arith.cmpi eq, %sub3A_28, %eq3A_75 : vector<1x1024xi32>
    %jit3A_77 = arith.constant 1.600000e+02 : f32
    %broadcast_in_dim3A_78 = vector.broadcast %jit3A_77 : f32 to vector<1x1024xf32>
    %select_n3A_79 = arith.select %eq3A_76, %broadcast_in_dim3A_78, %select_n3A_73 : vector<1x1024xi1>, vector<1x1024xf32>
    %eq3A_80 = arith.constant 0 : i32
    %eq3A_81 = vector.broadcast %eq3A_80 : i32 to vector<1x1024xi32>
    %eq3A_82 = arith.cmpi eq, %sub3A_28, %eq3A_81 : vector<1x1024xi32>
    %jit3A_83 = arith.constant 3.200000e+02 : f32
    %broadcast_in_dim3A_84 = vector.broadcast %jit3A_83 : f32 to vector<1x1024xf32>
    %select_n3A_85 = arith.select %eq3A_82, %broadcast_in_dim3A_84, %select_n3A_79 : vector<1x1024xi1>, vector<1x1024xf32>
    %broadcast_in_dim3A_86 = arith.constant 80640 : i32
    %broadcast_in_dim3A_87 = vector.broadcast %broadcast_in_dim3A_86 : i32 to vector<1x1024xi32>
    %eq3A_88 = arith.constant 2 : i32
    %eq3A_89 = vector.broadcast %eq3A_88 : i32 to vector<1x1024xi32>
    %eq3A_90 = arith.cmpi eq, %sub3A_28, %eq3A_89 : vector<1x1024xi32>
    %jit3A_91 = arith.constant 76800 : i32
    %broadcast_in_dim3A_92 = vector.broadcast %jit3A_91 : i32 to vector<1x1024xi32>
    %select_n3A_93 = arith.select %eq3A_90, %broadcast_in_dim3A_92, %broadcast_in_dim3A_87 : vector<1x1024xi1>, vector<1x1024xi32>
    %eq3A_94 = arith.constant 1 : i32
    %eq3A_95 = vector.broadcast %eq3A_94 : i32 to vector<1x1024xi32>
    %eq3A_96 = arith.cmpi eq, %sub3A_28, %eq3A_95 : vector<1x1024xi32>
    %jit3A_97 = arith.constant 61440 : i32
    %broadcast_in_dim3A_98 = vector.broadcast %jit3A_97 : i32 to vector<1x1024xi32>
    %select_n3A_99 = arith.select %eq3A_96, %broadcast_in_dim3A_98, %select_n3A_93 : vector<1x1024xi1>, vector<1x1024xi32>
    %eq3A_100 = arith.constant 0 : i32
    %eq3A_101 = vector.broadcast %eq3A_100 : i32 to vector<1x1024xi32>
    %eq3A_102 = arith.cmpi eq, %sub3A_28, %eq3A_101 : vector<1x1024xi32>
    %jit3A_103 = arith.constant 0 : i32
    %broadcast_in_dim3A_104 = vector.broadcast %jit3A_103 : i32 to vector<1x1024xi32>
    %select_n3A_105 = arith.select %eq3A_102, %broadcast_in_dim3A_104, %select_n3A_99 : vector<1x1024xi1>, vector<1x1024xi32>
    %convert_element_type3A_106 = arith.fptosi %select_n3A_85 : vector<1x1024xf32> to vector<1x1024xi32>
    %mul3A_107 = arith.mulf %slice3A, %select_n3A_45 : vector<1x1024xf32>
    %sub3A_108 = arith.constant 5.000000e-01 : f32
    %sub3A_109 = vector.broadcast %sub3A_108 : f32 to vector<1x1024xf32>
    %sub3A_110 = arith.subf %mul3A_107, %sub3A_109 : vector<1x1024xf32>
    %mul3A_111 = arith.mulf %slice3A_2, %select_n3A_45 : vector<1x1024xf32>
    %sub3A_112 = arith.constant 5.000000e-01 : f32
    %sub3A_113 = vector.broadcast %sub3A_112 : f32 to vector<1x1024xf32>
    %sub3A_114 = arith.subf %mul3A_111, %sub3A_113 : vector<1x1024xf32>
    %mul3A_115 = arith.mulf %slice3A_3, %select_n3A_45 : vector<1x1024xf32>
    %sub3A_116 = arith.constant 5.000000e-01 : f32
    %sub3A_117 = vector.broadcast %sub3A_116 : f32 to vector<1x1024xf32>
    %sub3A_118 = arith.subf %mul3A_115, %sub3A_117 : vector<1x1024xf32>
    %mul3A_119 = arith.mulf %slice3A_4, %select_n3A_45 : vector<1x1024xf32>
    %sub3A_120 = arith.constant 5.000000e-01 : f32
    %sub3A_121 = vector.broadcast %sub3A_120 : f32 to vector<1x1024xf32>
    %sub3A_122 = arith.subf %mul3A_119, %sub3A_121 : vector<1x1024xf32>
    %sub3A_123 = arith.subf %sub3A_118, %sub3A_110 : vector<1x1024xf32>
    %div3A_124 = arith.constant 7.000000e+00 : f32
    %div3A_125 = vector.broadcast %div3A_124 : f32 to vector<1x1024xf32>
    %div3A_126 = arith.divf %sub3A_123, %div3A_125 : vector<1x1024xf32>
    %sub3A_127 = arith.subf %sub3A_122, %sub3A_114 : vector<1x1024xf32>
    %div3A_128 = arith.constant 7.000000e+00 : f32
    %div3A_129 = vector.broadcast %div3A_128 : f32 to vector<1x1024xf32>
    %div3A_130 = arith.divf %sub3A_127, %div3A_129 : vector<1x1024xf32>
    %iota3A = tpu.iota {dimensions = array<i32: 0>} : vector<49x1024xi32>
    %convert_element_type3A_131 = arith.sitofp %iota3A : vector<49x1024xi32> to vector<49x1024xf32>
    %mul3A_132 = arith.constant 0.142857149 : f32
    %mul3A_133 = vector.broadcast %mul3A_132 : f32 to vector<49x1024xf32>
    %mul3A_134 = arith.mulf %convert_element_type3A_131, %mul3A_133 : vector<49x1024xf32>
    %floor3A_135 = math.floor %mul3A_134 : vector<49x1024xf32>
    %add3A_136 = arith.constant 5.000000e-01 : f32
    %add3A_137 = vector.broadcast %add3A_136 : f32 to vector<49x1024xf32>
    %add3A_138 = arith.addf %floor3A_135, %add3A_137 : vector<49x1024xf32>
    %mul3A_139 = arith.constant 7.000000e+00 : f32
    %mul3A_140 = vector.broadcast %mul3A_139 : f32 to vector<49x1024xf32>
    %mul3A_141 = arith.mulf %mul3A_140, %floor3A_135 : vector<49x1024xf32>
    %sub3A_142 = arith.subf %convert_element_type3A_131, %mul3A_141 : vector<49x1024xf32>
    %add3A_143 = arith.constant 5.000000e-01 : f32
    %add3A_144 = vector.broadcast %add3A_143 : f32 to vector<49x1024xf32>
    %add3A_145 = arith.addf %sub3A_142, %add3A_144 : vector<49x1024xf32>
    %mul3A_146 = vector.broadcast %div3A_130 : vector<1x1024xf32> to vector<49x1024xf32>
    %mul3A_147 = arith.mulf %add3A_138, %mul3A_146 : vector<49x1024xf32>
    %add3A_148 = vector.broadcast %sub3A_114 : vector<1x1024xf32> to vector<49x1024xf32>
    %add3A_149 = arith.addf %add3A_148, %mul3A_147 : vector<49x1024xf32>
    %mul3A_150 = vector.broadcast %div3A_126 : vector<1x1024xf32> to vector<49x1024xf32>
    %mul3A_151 = arith.mulf %add3A_145, %mul3A_150 : vector<49x1024xf32>
    %add3A_152 = vector.broadcast %sub3A_110 : vector<1x1024xf32> to vector<49x1024xf32>
    %add3A_153 = arith.addf %add3A_152, %mul3A_151 : vector<49x1024xf32>
    %gt3A = arith.constant -1.000000e+00 : f32
    %gt3A_154 = vector.broadcast %gt3A : f32 to vector<49x1024xf32>
    %gt3A_155 = arith.cmpf ogt, %add3A_149, %gt3A_154 : vector<49x1024xf32>
    %lt3A = vector.broadcast %select_n3A_65 : vector<1x1024xf32> to vector<49x1024xf32>
    %lt3A_156 = arith.cmpf olt, %add3A_149, %lt3A : vector<49x1024xf32>
    %and3A = arith.andi %gt3A_155, %lt3A_156 : vector<49x1024xi1>
    %gt3A_157 = arith.constant -1.000000e+00 : f32
    %gt3A_158 = vector.broadcast %gt3A_157 : f32 to vector<49x1024xf32>
    %gt3A_159 = arith.cmpf ogt, %add3A_153, %gt3A_158 : vector<49x1024xf32>
    %and3A_160 = arith.andi %and3A, %gt3A_159 : vector<49x1024xi1>
    %lt3A_161 = vector.broadcast %select_n3A_85 : vector<1x1024xf32> to vector<49x1024xf32>
    %lt3A_162 = arith.cmpf olt, %add3A_153, %lt3A_161 : vector<49x1024xf32>
    %and3A_163 = arith.andi %and3A_160, %lt3A_162 : vector<49x1024xi1>
    %sub3A_164 = arith.constant 1.000000e+00 : f32
    %sub3A_165 = vector.broadcast %sub3A_164 : f32 to vector<1x1024xf32>
    %sub3A_166 = arith.subf %select_n3A_65, %sub3A_165 : vector<1x1024xf32>
    %jit3A_167 = arith.constant 0.000000e+00 : f32
    %max3A_168 = vector.broadcast %jit3A_167 : f32 to vector<49x1024xf32>
    %max3A_169 = arith.maximumf %max3A_168, %add3A_149 : vector<49x1024xf32>
    %min3A_170 = vector.broadcast %sub3A_166 : vector<1x1024xf32> to vector<49x1024xf32>
    %min3A_171 = arith.minimumf %min3A_170, %max3A_169 : vector<49x1024xf32>
    %sub3A_172 = arith.constant 1.000000e+00 : f32
    %sub3A_173 = vector.broadcast %sub3A_172 : f32 to vector<1x1024xf32>
    %sub3A_174 = arith.subf %select_n3A_85, %sub3A_173 : vector<1x1024xf32>
    %jit3A_175 = arith.constant 0.000000e+00 : f32
    %max3A_176 = vector.broadcast %jit3A_175 : f32 to vector<49x1024xf32>
    %max3A_177 = arith.maximumf %max3A_176, %add3A_153 : vector<49x1024xf32>
    %min3A_178 = vector.broadcast %sub3A_174 : vector<1x1024xf32> to vector<49x1024xf32>
    %min3A_179 = arith.minimumf %min3A_178, %max3A_177 : vector<49x1024xf32>
    %floor3A_180 = math.floor %min3A_171 : vector<49x1024xf32>
    %floor3A_181 = math.floor %min3A_179 : vector<49x1024xf32>
    %add3A_182 = arith.constant 1.000000e+00 : f32
    %add3A_183 = vector.broadcast %add3A_182 : f32 to vector<49x1024xf32>
    %add3A_184 = arith.addf %floor3A_180, %add3A_183 : vector<49x1024xf32>
    %sub3A_185 = arith.constant 1.000000e+00 : f32
    %sub3A_186 = vector.broadcast %sub3A_185 : f32 to vector<1x1024xf32>
    %sub3A_187 = arith.subf %select_n3A_65, %sub3A_186 : vector<1x1024xf32>
    %min3A_188 = vector.broadcast %sub3A_187 : vector<1x1024xf32> to vector<49x1024xf32>
    %min3A_189 = arith.minimumf %add3A_184, %min3A_188 : vector<49x1024xf32>
    %add3A_190 = arith.constant 1.000000e+00 : f32
    %add3A_191 = vector.broadcast %add3A_190 : f32 to vector<49x1024xf32>
    %add3A_192 = arith.addf %floor3A_181, %add3A_191 : vector<49x1024xf32>
    %sub3A_193 = arith.constant 1.000000e+00 : f32
    %sub3A_194 = vector.broadcast %sub3A_193 : f32 to vector<1x1024xf32>
    %sub3A_195 = arith.subf %select_n3A_85, %sub3A_194 : vector<1x1024xf32>
    %min3A_196 = vector.broadcast %sub3A_195 : vector<1x1024xf32> to vector<49x1024xf32>
    %min3A_197 = arith.minimumf %add3A_192, %min3A_196 : vector<49x1024xf32>
    %sub3A_198 = arith.subf %min3A_171, %floor3A_180 : vector<49x1024xf32>
    %sub3A_199 = arith.subf %min3A_179, %floor3A_181 : vector<49x1024xf32>
    %convert_element_type3A_200 = arith.extui %and3A_163 : vector<49x1024xi1> to vector<49x1024xi32>
    %convert_element_type3A_201 = arith.sitofp %convert_element_type3A_200 : vector<49x1024xi32> to vector<49x1024xf32>
    %sub3A_202 = arith.constant 1.000000e+00 : f32
    %sub3A_203 = vector.broadcast %sub3A_202 : f32 to vector<49x1024xf32>
    %sub3A_204 = arith.subf %sub3A_203, %sub3A_198 : vector<49x1024xf32>
    %sub3A_205 = arith.constant 1.000000e+00 : f32
    %sub3A_206 = vector.broadcast %sub3A_205 : f32 to vector<49x1024xf32>
    %sub3A_207 = arith.subf %sub3A_206, %sub3A_199 : vector<49x1024xf32>
    %mul3A_208 = arith.mulf %sub3A_204, %sub3A_207 : vector<49x1024xf32>
    %mul3A_209 = arith.mulf %mul3A_208, %convert_element_type3A_201 : vector<49x1024xf32>
    %swap3A = arith.constant 0 : index
    %swap3A_210 = arith.constant 0 : index
    %swap3A_211 = vector.load %arg5[%swap3A, %swap3A_210] : memref<49x1024xf32, #tpu.memory_space<vmem>>, vector<49x1024xf32>
    tpu.vector_store %arg5[%swap3A, %swap3A_210], %mul3A_209 {strides = array<i32>} : memref<49x1024xf32, #tpu.memory_space<vmem>>, vector<49x1024xf32>,
    %sub3A_212 = arith.constant 1.000000e+00 : f32
    %sub3A_213 = vector.broadcast %sub3A_212 : f32 to vector<49x1024xf32>
    %sub3A_214 = arith.subf %sub3A_213, %sub3A_198 : vector<49x1024xf32>
    %mul3A_215 = arith.mulf %sub3A_214, %sub3A_199 : vector<49x1024xf32>
    %mul3A_216 = arith.mulf %mul3A_215, %convert_element_type3A_201 : vector<49x1024xf32>
    %swap3A_217 = arith.constant 0 : index
    %swap3A_218 = arith.constant 0 : index
    %swap3A_219 = vector.load %arg6[%swap3A_217, %swap3A_218] : memref<49x1024xf32, #tpu.memory_space<vmem>>, vector<49x1024xf32>
    tpu.vector_store %arg6[%swap3A_217, %swap3A_218], %mul3A_216 {strides = array<i32>} : memref<49x1024xf32, #tpu.memory_space<vmem>>, vector<49x1024xf32>,
    %sub3A_220 = arith.constant 1.000000e+00 : f32
    %sub3A_221 = vector.broadcast %sub3A_220 : f32 to vector<49x1024xf32>
    %sub3A_222 = arith.subf %sub3A_221, %sub3A_199 : vector<49x1024xf32>
    %mul3A_223 = arith.mulf %sub3A_198, %sub3A_222 : vector<49x1024xf32>
    %mul3A_224 = arith.mulf %mul3A_223, %convert_element_type3A_201 : vector<49x1024xf32>
    %swap3A_225 = arith.constant 0 : index
    %swap3A_226 = arith.constant 0 : index
    %swap3A_227 = vector.load %arg7[%swap3A_225, %swap3A_226] : memref<49x1024xf32, #tpu.memory_space<vmem>>, vector<49x1024xf32>
    tpu.vector_store %arg7[%swap3A_225, %swap3A_226], %mul3A_224 {strides = array<i32>} : memref<49x1024xf32, #tpu.memory_space<vmem>>, vector<49x1024xf32>,
    %mul3A_228 = arith.mulf %sub3A_198, %sub3A_199 : vector<49x1024xf32>
    %mul3A_229 = arith.mulf %mul3A_228, %convert_element_type3A_201 : vector<49x1024xf32>
    %swap3A_230 = arith.constant 0 : index
    %swap3A_231 = arith.constant 0 : index
    %swap3A_232 = vector.load %arg8[%swap3A_230, %swap3A_231] : memref<49x1024xf32, #tpu.memory_space<vmem>>, vector<49x1024xf32>
    tpu.vector_store %arg8[%swap3A_230, %swap3A_231], %mul3A_229 {strides = array<i32>} : memref<49x1024xf32, #tpu.memory_space<vmem>>, vector<49x1024xf32>,
    %convert_element_type3A_233 = arith.fptosi %floor3A_180 : vector<49x1024xf32> to vector<49x1024xi32>
    %convert_element_type3A_234 = arith.fptosi %floor3A_181 : vector<49x1024xf32> to vector<49x1024xi32>
    %convert_element_type3A_235 = arith.fptosi %min3A_189 : vector<49x1024xf32> to vector<49x1024xi32>
    %convert_element_type3A_236 = arith.fptosi %min3A_197 : vector<49x1024xf32> to vector<49x1024xi32>
    %mul3A_237 = vector.broadcast %convert_element_type3A_106 : vector<1x1024xi32> to vector<49x1024xi32>
    %mul3A_238 = arith.muli %convert_element_type3A_233, %mul3A_237 : vector<49x1024xi32>
    %add3A_239 = vector.broadcast %select_n3A_105 : vector<1x1024xi32> to vector<49x1024xi32>
    %add3A_240 = arith.addi %add3A_239, %mul3A_238 : vector<49x1024xi32>
    %add3A_241 = arith.addi %add3A_240, %convert_element_type3A_234 : vector<49x1024xi32>
    %swap3A_242 = arith.constant 0 : index
    %swap3A_243 = arith.constant 0 : index
    %swap3A_244 = vector.load %arg1[%swap3A_242, %swap3A_243] : memref<49x1024xi32, #tpu.memory_space<vmem>>, vector<49x1024xi32>
    tpu.vector_store %arg1[%swap3A_242, %swap3A_243], %add3A_241 {strides = array<i32>} : memref<49x1024xi32, #tpu.memory_space<vmem>>, vector<49x1024xi32>,
    %mul3A_245 = vector.broadcast %convert_element_type3A_106 : vector<1x1024xi32> to vector<49x1024xi32>
    %mul3A_246 = arith.muli %convert_element_type3A_233, %mul3A_245 : vector<49x1024xi32>
    %add3A_247 = vector.broadcast %select_n3A_105 : vector<1x1024xi32> to vector<49x1024xi32>
    %add3A_248 = arith.addi %add3A_247, %mul3A_246 : vector<49x1024xi32>
    %add3A_249 = arith.addi %add3A_248, %convert_element_type3A_236 : vector<49x1024xi32>
    %swap3A_250 = arith.constant 0 : index
    %swap3A_251 = arith.constant 0 : index
    %swap3A_252 = vector.load %arg2[%swap3A_250, %swap3A_251] : memref<49x1024xi32, #tpu.memory_space<vmem>>, vector<49x1024xi32>
    tpu.vector_store %arg2[%swap3A_250, %swap3A_251], %add3A_249 {strides = array<i32>} : memref<49x1024xi32, #tpu.memory_space<vmem>>, vector<49x1024xi32>,
    %mul3A_253 = vector.broadcast %convert_element_type3A_106 : vector<1x1024xi32> to vector<49x1024xi32>
    %mul3A_254 = arith.muli %convert_element_type3A_235, %mul3A_253 : vector<49x1024xi32>
    %add3A_255 = vector.broadcast %select_n3A_105 : vector<1x1024xi32> to vector<49x1024xi32>
    %add3A_256 = arith.addi %add3A_255, %mul3A_254 : vector<49x1024xi32>
    %add3A_257 = arith.addi %add3A_256, %convert_element_type3A_234 : vector<49x1024xi32>
    %swap3A_258 = arith.constant 0 : index
    %swap3A_259 = arith.constant 0 : index
    %swap3A_260 = vector.load %arg3[%swap3A_258, %swap3A_259] : memref<49x1024xi32, #tpu.memory_space<vmem>>, vector<49x1024xi32>
    tpu.vector_store %arg3[%swap3A_258, %swap3A_259], %add3A_257 {strides = array<i32>} : memref<49x1024xi32, #tpu.memory_space<vmem>>, vector<49x1024xi32>,
    %mul3A_261 = vector.broadcast %convert_element_type3A_106 : vector<1x1024xi32> to vector<49x1024xi32>
    %mul3A_262 = arith.muli %convert_element_type3A_235, %mul3A_261 : vector<49x1024xi32>
    %add3A_263 = vector.broadcast %select_n3A_105 : vector<1x1024xi32> to vector<49x1024xi32>
    %add3A_264 = arith.addi %add3A_263, %mul3A_262 : vector<49x1024xi32>
    %add3A_265 = arith.addi %add3A_264, %convert_element_type3A_236 : vector<49x1024xi32>
    %swap3A_266 = arith.constant 0 : index
    %swap3A_267 = arith.constant 0 : index
    %swap3A_268 = vector.load %arg4[%swap3A_266, %swap3A_267] : memref<49x1024xi32, #tpu.memory_space<vmem>>, vector<49x1024xi32>
    tpu.vector_store %arg4[%swap3A_266, %swap3A_267], %add3A_265 {strides = array<i32>} : memref<49x1024xi32, #tpu.memory_space<vmem>>, vector<49x1024xi32>,
    return
  }
}

module attributes {stable_mosaic.version = 14 : i64} {
  func.func @_tpose_body(%arg0: i32, %arg1: memref<256x1920xf32, #tpu.memory_space<vmem>>, %arg2: memref<1920x128xi32, #tpu.memory_space<vmem>>) attributes {dimension_semantics = [#tpu.dimension_semantics<arbitrary>], iteration_bounds = array<i64: 32>, scalar_prefetch = 0 : i64, scratch_operands = 0 : i64, tpu.core_type = #tpu.core_type<tc>, window_params = [{transform_indices = @transform_0, window_bounds = array<i64: 256, 1920>}, {transform_indices = @transform_1, window_bounds = array<i64: 1920, 128>}]} {
    %get3A = arith.constant 0 : index
    %get3A_0 = arith.constant 0 : index
    %get3A_1 = vector.load %arg1[%get3A, %get3A_0] : memref<256x1920xf32, #tpu.memory_space<vmem>>, vector<256x1920xf32>
    %convert_element_type3A = arith.truncf %get3A_1 : vector<256x1920xf32> to vector<256x1920xbf16>
    %slice3A = vector.extract_strided_slice %convert_element_type3A {offsets = [0, 0], sizes = [128, 1920], strides = [1, 1]} : vector<256x1920xbf16> to vector<128x1920xbf16>
    %bitcast_convert_type3A = tpu.bitcast %slice3A : vector<128x1920xbf16> -> vector<128x1920xi16>
    %convert_element_type3A_2 = arith.extui %bitcast_convert_type3A : vector<128x1920xi16> to vector<128x1920xi32>
    %slice3A_3 = vector.extract_strided_slice %convert_element_type3A {offsets = [128, 0], sizes = [128, 1920], strides = [1, 1]} : vector<256x1920xbf16> to vector<128x1920xbf16>
    %bitcast_convert_type3A_4 = tpu.bitcast %slice3A_3 : vector<128x1920xbf16> -> vector<128x1920xi16>
    %convert_element_type3A_5 = arith.extui %bitcast_convert_type3A_4 : vector<128x1920xi16> to vector<128x1920xi32>
    %shift_left3A = arith.constant 16 : i32
    %shift_left3A_6 = vector.broadcast %shift_left3A : i32 to vector<128x1920xi32>
    %shift_left3A_7 = arith.shli %convert_element_type3A_5, %shift_left3A_6 : vector<128x1920xi32>
    %or3A = arith.ori %convert_element_type3A_2, %shift_left3A_7 : vector<128x1920xi32>
    %bitcast_convert_type3A_8 = tpu.bitcast %or3A : vector<128x1920xi32> -> vector<128x1920xi32>
    %transpose3A = tpu.transpose %bitcast_convert_type3A_8, [1, 0] : vector<128x1920xi32> -> vector<1920x128xi32>
    %swap3A = arith.constant 0 : index
    %swap3A_9 = arith.constant 0 : index
    %swap3A_10 = vector.load %arg2[%swap3A, %swap3A_9] : memref<1920x128xi32, #tpu.memory_space<vmem>>, vector<1920x128xi32>
    tpu.vector_store %arg2[%swap3A, %swap3A_9], %transpose3A {strides = array<i32>} : memref<1920x128xi32, #tpu.memory_space<vmem>>, vector<1920x128xi32>,
    return
  }
  func.func @transform_0(%arg0: i32) -> (i32, i32) {
    %c0_i32 = arith.constant 0 : i32
    %c0_i32_0 = arith.constant 0 : i32
    return %c0_i32, %arg0 : i32, i32
  }
  func.func @transform_1(%arg0: i32) -> (i32, i32) {
    %c0_i32 = arith.constant 0 : i32
    %c0_i32_0 = arith.constant 0 : i32
    return %arg0, %c0_i32 : i32, i32
  }
}

module attributes {stable_mosaic.version = 14 : i64} {
  func.func @_tpose_body(%arg0: i32, %arg1: memref<256x1920xf32, #tpu.memory_space<vmem>>, %arg2: memref<1920x128xi32, #tpu.memory_space<vmem>>) attributes {dimension_semantics = [#tpu.dimension_semantics<arbitrary>], iteration_bounds = array<i64: 8>, scalar_prefetch = 0 : i64, scratch_operands = 0 : i64, tpu.core_type = #tpu.core_type<tc>, window_params = [{transform_indices = @transform_0, window_bounds = array<i64: 256, 1920>}, {transform_indices = @transform_1, window_bounds = array<i64: 1920, 128>}]} {
    %get3A = arith.constant 0 : index
    %get3A_0 = arith.constant 0 : index
    %get3A_1 = vector.load %arg1[%get3A, %get3A_0] : memref<256x1920xf32, #tpu.memory_space<vmem>>, vector<256x1920xf32>
    %convert_element_type3A = arith.truncf %get3A_1 : vector<256x1920xf32> to vector<256x1920xbf16>
    %slice3A = vector.extract_strided_slice %convert_element_type3A {offsets = [0, 0], sizes = [128, 1920], strides = [1, 1]} : vector<256x1920xbf16> to vector<128x1920xbf16>
    %bitcast_convert_type3A = tpu.bitcast %slice3A : vector<128x1920xbf16> -> vector<128x1920xi16>
    %convert_element_type3A_2 = arith.extui %bitcast_convert_type3A : vector<128x1920xi16> to vector<128x1920xi32>
    %slice3A_3 = vector.extract_strided_slice %convert_element_type3A {offsets = [128, 0], sizes = [128, 1920], strides = [1, 1]} : vector<256x1920xbf16> to vector<128x1920xbf16>
    %bitcast_convert_type3A_4 = tpu.bitcast %slice3A_3 : vector<128x1920xbf16> -> vector<128x1920xi16>
    %convert_element_type3A_5 = arith.extui %bitcast_convert_type3A_4 : vector<128x1920xi16> to vector<128x1920xi32>
    %shift_left3A = arith.constant 16 : i32
    %shift_left3A_6 = vector.broadcast %shift_left3A : i32 to vector<128x1920xi32>
    %shift_left3A_7 = arith.shli %convert_element_type3A_5, %shift_left3A_6 : vector<128x1920xi32>
    %or3A = arith.ori %convert_element_type3A_2, %shift_left3A_7 : vector<128x1920xi32>
    %bitcast_convert_type3A_8 = tpu.bitcast %or3A : vector<128x1920xi32> -> vector<128x1920xi32>
    %transpose3A = tpu.transpose %bitcast_convert_type3A_8, [1, 0] : vector<128x1920xi32> -> vector<1920x128xi32>
    %swap3A = arith.constant 0 : index
    %swap3A_9 = arith.constant 0 : index
    %swap3A_10 = vector.load %arg2[%swap3A, %swap3A_9] : memref<1920x128xi32, #tpu.memory_space<vmem>>, vector<1920x128xi32>
    tpu.vector_store %arg2[%swap3A, %swap3A_9], %transpose3A {strides = array<i32>} : memref<1920x128xi32, #tpu.memory_space<vmem>>, vector<1920x128xi32>,
    return
  }
  func.func @transform_0(%arg0: i32) -> (i32, i32) {
    %c0_i32 = arith.constant 0 : i32
    %c0_i32_0 = arith.constant 0 : i32
    return %c0_i32, %arg0 : i32, i32
  }
  func.func @transform_1(%arg0: i32) -> (i32, i32) {
    %c0_i32 = arith.constant 0 : i32
    %c0_i32_0 = arith.constant 0 : i32
    return %arg0, %c0_i32 : i32, i32
  }
}

module attributes {stable_mosaic.version = 14 : i64} {
  func.func @_tpose_body(%arg0: i32, %arg1: memref<256x1920xf32, #tpu.memory_space<vmem>>, %arg2: memref<1920x128xi32, #tpu.memory_space<vmem>>) attributes {dimension_semantics = [#tpu.dimension_semantics<arbitrary>], iteration_bounds = array<i64: 2>, scalar_prefetch = 0 : i64, scratch_operands = 0 : i64, tpu.core_type = #tpu.core_type<tc>, window_params = [{transform_indices = @transform_0, window_bounds = array<i64: 256, 1920>}, {transform_indices = @transform_1, window_bounds = array<i64: 1920, 128>}]} {
    %get3A = arith.constant 0 : index
    %get3A_0 = arith.constant 0 : index
    %get3A_1 = vector.load %arg1[%get3A, %get3A_0] : memref<256x1920xf32, #tpu.memory_space<vmem>>, vector<256x1920xf32>
    %convert_element_type3A = arith.truncf %get3A_1 : vector<256x1920xf32> to vector<256x1920xbf16>
    %slice3A = vector.extract_strided_slice %convert_element_type3A {offsets = [0, 0], sizes = [128, 1920], strides = [1, 1]} : vector<256x1920xbf16> to vector<128x1920xbf16>
    %bitcast_convert_type3A = tpu.bitcast %slice3A : vector<128x1920xbf16> -> vector<128x1920xi16>
    %convert_element_type3A_2 = arith.extui %bitcast_convert_type3A : vector<128x1920xi16> to vector<128x1920xi32>
    %slice3A_3 = vector.extract_strided_slice %convert_element_type3A {offsets = [128, 0], sizes = [128, 1920], strides = [1, 1]} : vector<256x1920xbf16> to vector<128x1920xbf16>
    %bitcast_convert_type3A_4 = tpu.bitcast %slice3A_3 : vector<128x1920xbf16> -> vector<128x1920xi16>
    %convert_element_type3A_5 = arith.extui %bitcast_convert_type3A_4 : vector<128x1920xi16> to vector<128x1920xi32>
    %shift_left3A = arith.constant 16 : i32
    %shift_left3A_6 = vector.broadcast %shift_left3A : i32 to vector<128x1920xi32>
    %shift_left3A_7 = arith.shli %convert_element_type3A_5, %shift_left3A_6 : vector<128x1920xi32>
    %or3A = arith.ori %convert_element_type3A_2, %shift_left3A_7 : vector<128x1920xi32>
    %bitcast_convert_type3A_8 = tpu.bitcast %or3A : vector<128x1920xi32> -> vector<128x1920xi32>
    %transpose3A = tpu.transpose %bitcast_convert_type3A_8, [1, 0] : vector<128x1920xi32> -> vector<1920x128xi32>
    %swap3A = arith.constant 0 : index
    %swap3A_9 = arith.constant 0 : index
    %swap3A_10 = vector.load %arg2[%swap3A, %swap3A_9] : memref<1920x128xi32, #tpu.memory_space<vmem>>, vector<1920x128xi32>
    tpu.vector_store %arg2[%swap3A, %swap3A_9], %transpose3A {strides = array<i32>} : memref<1920x128xi32, #tpu.memory_space<vmem>>, vector<1920x128xi32>,
    return
  }
  func.func @transform_0(%arg0: i32) -> (i32, i32) {
    %c0_i32 = arith.constant 0 : i32
    %c0_i32_0 = arith.constant 0 : i32
    return %c0_i32, %arg0 : i32, i32
  }
  func.func @transform_1(%arg0: i32) -> (i32, i32) {
    %c0_i32 = arith.constant 0 : i32
    %c0_i32_0 = arith.constant 0 : i32
    return %arg0, %c0_i32 : i32, i32
  }
}

module attributes {stable_mosaic.version = 14 : i64} {
  func.func @_tpose_body(%arg0: i32, %arg1: memref<256x960xf32, #tpu.memory_space<vmem>>, %arg2: memref<960x128xi32, #tpu.memory_space<vmem>>) attributes {dimension_semantics = [#tpu.dimension_semantics<arbitrary>], iteration_bounds = array<i64: 1>, scalar_prefetch = 0 : i64, scratch_operands = 0 : i64, tpu.core_type = #tpu.core_type<tc>, window_params = [{transform_indices = @transform_0, window_bounds = array<i64: 256, 960>}, {transform_indices = @transform_1, window_bounds = array<i64: 960, 128>}]} {
    %get3A = arith.constant 0 : index
    %get3A_0 = arith.constant 0 : index
    %get3A_1 = vector.load %arg1[%get3A, %get3A_0] : memref<256x960xf32, #tpu.memory_space<vmem>>, vector<256x960xf32>
    %convert_element_type3A = arith.truncf %get3A_1 : vector<256x960xf32> to vector<256x960xbf16>
    %slice3A = vector.extract_strided_slice %convert_element_type3A {offsets = [0, 0], sizes = [128, 960], strides = [1, 1]} : vector<256x960xbf16> to vector<128x960xbf16>
    %bitcast_convert_type3A = tpu.bitcast %slice3A : vector<128x960xbf16> -> vector<128x960xi16>
    %convert_element_type3A_2 = arith.extui %bitcast_convert_type3A : vector<128x960xi16> to vector<128x960xi32>
    %slice3A_3 = vector.extract_strided_slice %convert_element_type3A {offsets = [128, 0], sizes = [128, 960], strides = [1, 1]} : vector<256x960xbf16> to vector<128x960xbf16>
    %bitcast_convert_type3A_4 = tpu.bitcast %slice3A_3 : vector<128x960xbf16> -> vector<128x960xi16>
    %convert_element_type3A_5 = arith.extui %bitcast_convert_type3A_4 : vector<128x960xi16> to vector<128x960xi32>
    %shift_left3A = arith.constant 16 : i32
    %shift_left3A_6 = vector.broadcast %shift_left3A : i32 to vector<128x960xi32>
    %shift_left3A_7 = arith.shli %convert_element_type3A_5, %shift_left3A_6 : vector<128x960xi32>
    %or3A = arith.ori %convert_element_type3A_2, %shift_left3A_7 : vector<128x960xi32>
    %bitcast_convert_type3A_8 = tpu.bitcast %or3A : vector<128x960xi32> -> vector<128x960xi32>
    %transpose3A = tpu.transpose %bitcast_convert_type3A_8, [1, 0] : vector<128x960xi32> -> vector<960x128xi32>
    %swap3A = arith.constant 0 : index
    %swap3A_9 = arith.constant 0 : index
    %swap3A_10 = vector.load %arg2[%swap3A, %swap3A_9] : memref<960x128xi32, #tpu.memory_space<vmem>>, vector<960x128xi32>
    tpu.vector_store %arg2[%swap3A, %swap3A_9], %transpose3A {strides = array<i32>} : memref<960x128xi32, #tpu.memory_space<vmem>>, vector<960x128xi32>,
    return
  }
  func.func @transform_0(%arg0: i32) -> (i32, i32) {
    %c0_i32 = arith.constant 0 : i32
    %c0_i32_0 = arith.constant 0 : i32
    return %c0_i32, %arg0 : i32, i32
  }
  func.func @transform_1(%arg0: i32) -> (i32, i32) {
    %c0_i32 = arith.constant 0 : i32
    %c0_i32_0 = arith.constant 0 : i32
    return %arg0, %c0_i32 : i32, i32
  }
}

module attributes {stable_mosaic.version = 14 : i64} {
  func.func @_fc1_body(%arg0: i32, %arg1: memref<4x1x1024x128xi32, #tpu.memory_space<vmem>>, %arg2: memref<4x1x1x1024xf32, #tpu.memory_space<vmem>>, %arg3: memref<256x1x8x128xf32, #tpu.memory_space<vmem>>, %arg4: memref<1024x1024xf32, #tpu.memory_space<vmem>>, %arg5: memref<1024x1024xf32, #tpu.memory_space<vmem>>) attributes {dimension_semantics = [#tpu.dimension_semantics<arbitrary>], iteration_bounds = array<i64: 25>, scalar_prefetch = 0 : i64, scratch_operands = 1 : i64, tpu.core_type = #tpu.core_type<tc>, window_params = [{transform_indices = @transform_0, window_bounds = array<i64: 4, 1, 1024, 128>}, {transform_indices = @transform_1, window_bounds = array<i64: 4, 1, 1, 1024>}, {transform_indices = @transform_2, window_bounds = array<i64: 256, 1, 8, 128>}, {pipeline_mode = #tpu.pipeline_mode<synchronous>, transform_indices = @transform_3, window_bounds = array<i64: 1024, 1024>}]} {
    %get3A = arith.constant 0 : index
    %get3A_0 = arith.constant 0 : index
    %get3A_1 = arith.constant 0 : index
    %get3A_2 = arith.constant 0 : index
    %get3A_3 = vector.load %arg2[%get3A, %get3A_0, %get3A_1, %get3A_2] : memref<4x1x1x1024xf32, #tpu.memory_space<vmem>>, vector<4x1x1x1024xf32>
    %get3A_4 = vector.shape_cast %get3A_3 : vector<4x1x1x1024xf32> to vector<4x1024xf32>
    %transpose3A = tpu.transpose %get3A_4, [1, 0] : vector<4x1024xf32> -> vector<1024x4xf32>
    %broadcast_in_dim3A = arith.constant 0.000000e+00 : f32
    %broadcast_in_dim3A_5 = vector.broadcast %broadcast_in_dim3A : f32 to vector<1024x128xf32>
    %broadcast_in_dim3A_6 = arith.constant 0.000000e+00 : f32
    %broadcast_in_dim3A_7 = vector.broadcast %broadcast_in_dim3A_6 : f32 to vector<1024x128xf32>
    %get3A_8 = arith.constant 0 : index
    %get3A_9 = arith.constant 0 : index
    %get3A_10 = arith.constant 0 : index
    %get3A_11 = arith.constant 0 : index
    %get3A_12 = vector.load %arg1[%get3A_8, %get3A_9, %get3A_10, %get3A_11] : memref<4x1x1024x128xi32, #tpu.memory_space<vmem>>, vector<1x1x1024x128xi32>
    %get3A_13 = vector.shape_cast %get3A_12 : vector<1x1x1024x128xi32> to vector<1024x128xi32>
    %slice3A = vector.extract_strided_slice %transpose3A {offsets = [0, 0], sizes = [1024, 1], strides = [1, 1]} : vector<1024x4xf32> to vector<1024x1xf32>
    %shift_left3A = arith.constant 16 : i32
    %shift_left3A_14 = vector.broadcast %shift_left3A : i32 to vector<1024x128xi32>
    %shift_left3A_15 = arith.shli %get3A_13, %shift_left3A_14 : vector<1024x128xi32>
    %bitcast_convert_type3A = tpu.bitcast %shift_left3A_15 : vector<1024x128xi32> -> vector<1024x128xf32>
    %mul3A = vector.broadcast %slice3A : vector<1024x1xf32> to vector<1024x128xf32>
    %mul3A_16 = arith.mulf %mul3A, %bitcast_convert_type3A : vector<1024x128xf32>
    %add3A = arith.addf %broadcast_in_dim3A_5, %mul3A_16 : vector<1024x128xf32>
    %and3A = arith.constant -65536 : i32
    %and3A_17 = vector.broadcast %and3A : i32 to vector<1024x128xi32>
    %and3A_18 = arith.andi %get3A_13, %and3A_17 : vector<1024x128xi32>
    %bitcast_convert_type3A_19 = tpu.bitcast %and3A_18 : vector<1024x128xi32> -> vector<1024x128xf32>
    %mul3A_20 = vector.broadcast %slice3A : vector<1024x1xf32> to vector<1024x128xf32>
    %mul3A_21 = arith.mulf %mul3A_20, %bitcast_convert_type3A_19 : vector<1024x128xf32>
    %add3A_22 = arith.addf %broadcast_in_dim3A_7, %mul3A_21 : vector<1024x128xf32>
    %get3A_23 = arith.constant 1 : index
    %get3A_24 = arith.constant 0 : index
    %get3A_25 = arith.constant 0 : index
    %get3A_26 = arith.constant 0 : index
    %get3A_27 = vector.load %arg1[%get3A_23, %get3A_24, %get3A_25, %get3A_26] : memref<4x1x1024x128xi32, #tpu.memory_space<vmem>>, vector<1x1x1024x128xi32>
    %get3A_28 = vector.shape_cast %get3A_27 : vector<1x1x1024x128xi32> to vector<1024x128xi32>
    %slice3A_29 = vector.extract_strided_slice %transpose3A {offsets = [0, 1], sizes = [1024, 1], strides = [1, 1]} : vector<1024x4xf32> to vector<1024x1xf32>
    %shift_left3A_30 = arith.constant 16 : i32
    %shift_left3A_31 = vector.broadcast %shift_left3A_30 : i32 to vector<1024x128xi32>
    %shift_left3A_32 = arith.shli %get3A_28, %shift_left3A_31 : vector<1024x128xi32>
    %bitcast_convert_type3A_33 = tpu.bitcast %shift_left3A_32 : vector<1024x128xi32> -> vector<1024x128xf32>
    %mul3A_34 = vector.broadcast %slice3A_29 : vector<1024x1xf32> to vector<1024x128xf32>
    %mul3A_35 = arith.mulf %mul3A_34, %bitcast_convert_type3A_33 : vector<1024x128xf32>
    %add3A_36 = arith.addf %add3A, %mul3A_35 : vector<1024x128xf32>
    %and3A_37 = arith.constant -65536 : i32
    %and3A_38 = vector.broadcast %and3A_37 : i32 to vector<1024x128xi32>
    %and3A_39 = arith.andi %get3A_28, %and3A_38 : vector<1024x128xi32>
    %bitcast_convert_type3A_40 = tpu.bitcast %and3A_39 : vector<1024x128xi32> -> vector<1024x128xf32>
    %mul3A_41 = vector.broadcast %slice3A_29 : vector<1024x1xf32> to vector<1024x128xf32>
    %mul3A_42 = arith.mulf %mul3A_41, %bitcast_convert_type3A_40 : vector<1024x128xf32>
    %add3A_43 = arith.addf %add3A_22, %mul3A_42 : vector<1024x128xf32>
    %get3A_44 = arith.constant 2 : index
    %get3A_45 = arith.constant 0 : index
    %get3A_46 = arith.constant 0 : index
    %get3A_47 = arith.constant 0 : index
    %get3A_48 = vector.load %arg1[%get3A_44, %get3A_45, %get3A_46, %get3A_47] : memref<4x1x1024x128xi32, #tpu.memory_space<vmem>>, vector<1x1x1024x128xi32>
    %get3A_49 = vector.shape_cast %get3A_48 : vector<1x1x1024x128xi32> to vector<1024x128xi32>
    %slice3A_50 = vector.extract_strided_slice %transpose3A {offsets = [0, 2], sizes = [1024, 1], strides = [1, 1]} : vector<1024x4xf32> to vector<1024x1xf32>
    %shift_left3A_51 = arith.constant 16 : i32
    %shift_left3A_52 = vector.broadcast %shift_left3A_51 : i32 to vector<1024x128xi32>
    %shift_left3A_53 = arith.shli %get3A_49, %shift_left3A_52 : vector<1024x128xi32>
    %bitcast_convert_type3A_54 = tpu.bitcast %shift_left3A_53 : vector<1024x128xi32> -> vector<1024x128xf32>
    %mul3A_55 = vector.broadcast %slice3A_50 : vector<1024x1xf32> to vector<1024x128xf32>
    %mul3A_56 = arith.mulf %mul3A_55, %bitcast_convert_type3A_54 : vector<1024x128xf32>
    %add3A_57 = arith.addf %add3A_36, %mul3A_56 : vector<1024x128xf32>
    %and3A_58 = arith.constant -65536 : i32
    %and3A_59 = vector.broadcast %and3A_58 : i32 to vector<1024x128xi32>
    %and3A_60 = arith.andi %get3A_49, %and3A_59 : vector<1024x128xi32>
    %bitcast_convert_type3A_61 = tpu.bitcast %and3A_60 : vector<1024x128xi32> -> vector<1024x128xf32>
    %mul3A_62 = vector.broadcast %slice3A_50 : vector<1024x1xf32> to vector<1024x128xf32>
    %mul3A_63 = arith.mulf %mul3A_62, %bitcast_convert_type3A_61 : vector<1024x128xf32>
    %add3A_64 = arith.addf %add3A_43, %mul3A_63 : vector<1024x128xf32>
    %get3A_65 = arith.constant 3 : index
    %get3A_66 = arith.constant 0 : index
    %get3A_67 = arith.constant 0 : index
    %get3A_68 = arith.constant 0 : index
    %get3A_69 = vector.load %arg1[%get3A_65, %get3A_66, %get3A_67, %get3A_68] : memref<4x1x1024x128xi32, #tpu.memory_space<vmem>>, vector<1x1x1024x128xi32>
    %get3A_70 = vector.shape_cast %get3A_69 : vector<1x1x1024x128xi32> to vector<1024x128xi32>
    %slice3A_71 = vector.extract_strided_slice %transpose3A {offsets = [0, 3], sizes = [1024, 1], strides = [1, 1]} : vector<1024x4xf32> to vector<1024x1xf32>
    %shift_left3A_72 = arith.constant 16 : i32
    %shift_left3A_73 = vector.broadcast %shift_left3A_72 : i32 to vector<1024x128xi32>
    %shift_left3A_74 = arith.shli %get3A_70, %shift_left3A_73 : vector<1024x128xi32>
    %bitcast_convert_type3A_75 = tpu.bitcast %shift_left3A_74 : vector<1024x128xi32> -> vector<1024x128xf32>
    %mul3A_76 = vector.broadcast %slice3A_71 : vector<1024x1xf32> to vector<1024x128xf32>
    %mul3A_77 = arith.mulf %mul3A_76, %bitcast_convert_type3A_75 : vector<1024x128xf32>
    %add3A_78 = arith.addf %add3A_57, %mul3A_77 : vector<1024x128xf32>
    %and3A_79 = arith.constant -65536 : i32
    %and3A_80 = vector.broadcast %and3A_79 : i32 to vector<1024x128xi32>
    %and3A_81 = arith.andi %get3A_70, %and3A_80 : vector<1024x128xi32>
    %bitcast_convert_type3A_82 = tpu.bitcast %and3A_81 : vector<1024x128xi32> -> vector<1024x128xf32>
    %mul3A_83 = vector.broadcast %slice3A_71 : vector<1024x1xf32> to vector<1024x128xf32>
    %mul3A_84 = arith.mulf %mul3A_83, %bitcast_convert_type3A_82 : vector<1024x128xf32>
    %add3A_85 = arith.addf %add3A_64, %mul3A_84 : vector<1024x128xf32>
    %concatenate3A = tpu.concatenate %add3A_78, %add3A_85 in 1 : vector<1024x128xf32>, vector<1024x128xf32> -> vector<1024x256xf32>
    %convert_element_type3A = arith.truncf %concatenate3A : vector<1024x256xf32> to vector<1024x256xbf16>
    %get3A_86 = arith.constant 0 : index
    %get3A_87 = arith.constant 0 : index
    %get3A_88 = arith.constant 0 : index
    %get3A_89 = arith.constant 0 : index
    %get3A_90 = vector.load %arg3[%get3A_86, %get3A_87, %get3A_88, %get3A_89] : memref<256x1x8x128xf32, #tpu.memory_space<vmem>>, vector<256x1x8x128xf32>
    %get3A_91 = vector.shape_cast %get3A_90 : vector<256x1x8x128xf32> to vector<256x8x128xf32>
    %reshape3A = vector.shape_cast %get3A_91 : vector<256x8x128xf32> to vector<256x1024xf32>
    %convert_element_type3A_92 = arith.truncf %reshape3A : vector<256x1024xf32> to vector<256x1024xbf16>
    %dot_general3A = arith.constant dense<0.000000e+00> : vector<1024x1024xf32>
    %dot_general3A_93 = tpu.matmul %convert_element_type3A, %convert_element_type3A_92, %dot_general3A {dimension_numbers = #tpu.dot_dimension_numbers<[1], [0], [0], [1], [0, 0, 1, 1], [], []>, transpose_lhs_hint = false} : vector<1024x256xbf16>, vector<256x1024xbf16>, vector<1024x1024xf32> -> vector<1024x1024xf32>
    %eq3A = arith.constant 0 : i32
    %eq3A_94 = arith.cmpi eq, %arg0, %eq3A : i32
    %convert_element_type3A_95 = arith.extui %eq3A_94 : i1 to i32
    %cond3A = arith.constant 0 : i32
    %cond3A_96 = arith.cmpi ne, %convert_element_type3A_95, %cond3A : i32
    scf.if %cond3A_96 {
      %swap3A = arith.constant 0 : index
      %swap3A_106 = arith.constant 0 : index
      %swap3A_107 = vector.load %arg5[%swap3A, %swap3A_106] : memref<1024x1024xf32, #tpu.memory_space<vmem>>, vector<1024x1024xf32>
      tpu.vector_store %arg5[%swap3A, %swap3A_106], %dot_general3A_93 {strides = array<i32>} : memref<1024x1024xf32, #tpu.memory_space<vmem>>, vector<1024x1024xf32>,
    } else {
    }
    %gt3A = arith.constant 0 : i32
    %gt3A_97 = arith.cmpi sgt, %arg0, %gt3A : i32
    %convert_element_type3A_98 = arith.extui %gt3A_97 : i1 to i32
    %cond3A_99 = arith.constant 0 : i32
    %cond3A_100 = arith.cmpi ne, %convert_element_type3A_98, %cond3A_99 : i32
    scf.if %cond3A_100 {
      %get3A_106 = arith.constant 0 : index
      %get3A_107 = arith.constant 0 : index
      %get3A_108 = vector.load %arg5[%get3A_106, %get3A_107] : memref<1024x1024xf32, #tpu.memory_space<vmem>>, vector<1024x1024xf32>
      %add3A_109 = arith.addf %get3A_108, %dot_general3A_93 : vector<1024x1024xf32>
      %swap3A = arith.constant 0 : index
      %swap3A_110 = arith.constant 0 : index
      %swap3A_111 = vector.load %arg5[%swap3A, %swap3A_110] : memref<1024x1024xf32, #tpu.memory_space<vmem>>, vector<1024x1024xf32>
      tpu.vector_store %arg5[%swap3A, %swap3A_110], %add3A_109 {strides = array<i32>} : memref<1024x1024xf32, #tpu.memory_space<vmem>>, vector<1024x1024xf32>,
    } else {
    }
    %eq3A_101 = arith.constant 24 : i32
    %eq3A_102 = arith.cmpi eq, %arg0, %eq3A_101 : i32
    %convert_element_type3A_103 = arith.extui %eq3A_102 : i1 to i32
    %cond3A_104 = arith.constant 0 : i32
    %cond3A_105 = arith.cmpi ne, %convert_element_type3A_103, %cond3A_104 : i32
    scf.if %cond3A_105 {
      %get3A_106 = arith.constant 0 : index
      %get3A_107 = arith.constant 0 : index
      %get3A_108 = vector.load %arg5[%get3A_106, %get3A_107] : memref<1024x1024xf32, #tpu.memory_space<vmem>>, vector<1024x1024xf32>
      %swap3A = arith.constant 0 : index
      %swap3A_109 = arith.constant 0 : index
      %swap3A_110 = vector.load %arg4[%swap3A, %swap3A_109] : memref<1024x1024xf32, #tpu.memory_space<vmem>>, vector<1024x1024xf32>
      tpu.vector_store %arg4[%swap3A, %swap3A_109], %get3A_108 {strides = array<i32>} : memref<1024x1024xf32, #tpu.memory_space<vmem>>, vector<1024x1024xf32>,
    } else {
    }
    return
  }
  func.func @transform_0(%arg0: i32) -> (i32, i32, i32, i32) {
    %c0_i32 = arith.constant 0 : i32
    %c0_i32_0 = arith.constant 0 : i32
    %c0_i32_1 = arith.constant 0 : i32
    %c0_i32_2 = arith.constant 0 : i32
    return %c0_i32, %arg0, %c0_i32_0, %c0_i32_1 : i32, i32, i32, i32
  }
  func.func @transform_1(%arg0: i32) -> (i32, i32, i32, i32) {
    %add3A = arith.constant 24 : i32
    %add3A_0 = arith.addi %arg0, %add3A : i32
    %c0_i32 = arith.constant 0 : i32
    %c0_i32_1 = arith.constant 0 : i32
    %c0_i32_2 = arith.constant 0 : i32
    %c0_i32_3 = arith.constant 0 : i32
    return %c0_i32, %add3A_0, %c0_i32_1, %c0_i32_2 : i32, i32, i32, i32
  }
  func.func @transform_2(%arg0: i32) -> (i32, i32, i32, i32) {
    %add3A = arith.constant 24 : i32
    %add3A_0 = arith.addi %arg0, %add3A : i32
    %c0_i32 = arith.constant 0 : i32
    %c0_i32_1 = arith.constant 0 : i32
    %c0_i32_2 = arith.constant 0 : i32
    %c0_i32_3 = arith.constant 0 : i32
    return %c0_i32, %add3A_0, %c0_i32_1, %c0_i32_2 : i32, i32, i32, i32
  }
  func.func @transform_3(%arg0: i32) -> (i32, i32) {
    %c0_i32 = arith.constant 0 : i32
    %c0_i32_0 = arith.constant 0 : i32
    %c0_i32_1 = arith.constant 0 : i32
    return %c0_i32, %c0_i32_0 : i32, i32
  }
}

module attributes {stable_mosaic.version = 14 : i64} {
  func.func @_fc1_body(%arg0: i32, %arg1: memref<4x1x1024x128xi32, #tpu.memory_space<vmem>>, %arg2: memref<4x1x1x1024xf32, #tpu.memory_space<vmem>>, %arg3: memref<256x1x8x128xf32, #tpu.memory_space<vmem>>, %arg4: memref<1024x1024xf32, #tpu.memory_space<vmem>>, %arg5: memref<1024x1024xf32, #tpu.memory_space<vmem>>) attributes {dimension_semantics = [#tpu.dimension_semantics<arbitrary>], iteration_bounds = array<i64: 24>, scalar_prefetch = 0 : i64, scratch_operands = 1 : i64, tpu.core_type = #tpu.core_type<tc>, window_params = [{transform_indices = @transform_0, window_bounds = array<i64: 4, 1, 1024, 128>}, {transform_indices = @transform_1, window_bounds = array<i64: 4, 1, 1, 1024>}, {transform_indices = @transform_2, window_bounds = array<i64: 256, 1, 8, 128>}, {pipeline_mode = #tpu.pipeline_mode<synchronous>, transform_indices = @transform_3, window_bounds = array<i64: 1024, 1024>}]} {
    %get3A = arith.constant 0 : index
    %get3A_0 = arith.constant 0 : index
    %get3A_1 = arith.constant 0 : index
    %get3A_2 = arith.constant 0 : index
    %get3A_3 = vector.load %arg2[%get3A, %get3A_0, %get3A_1, %get3A_2] : memref<4x1x1x1024xf32, #tpu.memory_space<vmem>>, vector<4x1x1x1024xf32>
    %get3A_4 = vector.shape_cast %get3A_3 : vector<4x1x1x1024xf32> to vector<4x1024xf32>
    %transpose3A = tpu.transpose %get3A_4, [1, 0] : vector<4x1024xf32> -> vector<1024x4xf32>
    %broadcast_in_dim3A = arith.constant 0.000000e+00 : f32
    %broadcast_in_dim3A_5 = vector.broadcast %broadcast_in_dim3A : f32 to vector<1024x128xf32>
    %broadcast_in_dim3A_6 = arith.constant 0.000000e+00 : f32
    %broadcast_in_dim3A_7 = vector.broadcast %broadcast_in_dim3A_6 : f32 to vector<1024x128xf32>
    %get3A_8 = arith.constant 0 : index
    %get3A_9 = arith.constant 0 : index
    %get3A_10 = arith.constant 0 : index
    %get3A_11 = arith.constant 0 : index
    %get3A_12 = vector.load %arg1[%get3A_8, %get3A_9, %get3A_10, %get3A_11] : memref<4x1x1024x128xi32, #tpu.memory_space<vmem>>, vector<1x1x1024x128xi32>
    %get3A_13 = vector.shape_cast %get3A_12 : vector<1x1x1024x128xi32> to vector<1024x128xi32>
    %slice3A = vector.extract_strided_slice %transpose3A {offsets = [0, 0], sizes = [1024, 1], strides = [1, 1]} : vector<1024x4xf32> to vector<1024x1xf32>
    %shift_left3A = arith.constant 16 : i32
    %shift_left3A_14 = vector.broadcast %shift_left3A : i32 to vector<1024x128xi32>
    %shift_left3A_15 = arith.shli %get3A_13, %shift_left3A_14 : vector<1024x128xi32>
    %bitcast_convert_type3A = tpu.bitcast %shift_left3A_15 : vector<1024x128xi32> -> vector<1024x128xf32>
    %mul3A = vector.broadcast %slice3A : vector<1024x1xf32> to vector<1024x128xf32>
    %mul3A_16 = arith.mulf %mul3A, %bitcast_convert_type3A : vector<1024x128xf32>
    %add3A = arith.addf %broadcast_in_dim3A_5, %mul3A_16 : vector<1024x128xf32>
    %and3A = arith.constant -65536 : i32
    %and3A_17 = vector.broadcast %and3A : i32 to vector<1024x128xi32>
    %and3A_18 = arith.andi %get3A_13, %and3A_17 : vector<1024x128xi32>
    %bitcast_convert_type3A_19 = tpu.bitcast %and3A_18 : vector<1024x128xi32> -> vector<1024x128xf32>
    %mul3A_20 = vector.broadcast %slice3A : vector<1024x1xf32> to vector<1024x128xf32>
    %mul3A_21 = arith.mulf %mul3A_20, %bitcast_convert_type3A_19 : vector<1024x128xf32>
    %add3A_22 = arith.addf %broadcast_in_dim3A_7, %mul3A_21 : vector<1024x128xf32>
    %get3A_23 = arith.constant 1 : index
    %get3A_24 = arith.constant 0 : index
    %get3A_25 = arith.constant 0 : index
    %get3A_26 = arith.constant 0 : index
    %get3A_27 = vector.load %arg1[%get3A_23, %get3A_24, %get3A_25, %get3A_26] : memref<4x1x1024x128xi32, #tpu.memory_space<vmem>>, vector<1x1x1024x128xi32>
    %get3A_28 = vector.shape_cast %get3A_27 : vector<1x1x1024x128xi32> to vector<1024x128xi32>
    %slice3A_29 = vector.extract_strided_slice %transpose3A {offsets = [0, 1], sizes = [1024, 1], strides = [1, 1]} : vector<1024x4xf32> to vector<1024x1xf32>
    %shift_left3A_30 = arith.constant 16 : i32
    %shift_left3A_31 = vector.broadcast %shift_left3A_30 : i32 to vector<1024x128xi32>
    %shift_left3A_32 = arith.shli %get3A_28, %shift_left3A_31 : vector<1024x128xi32>
    %bitcast_convert_type3A_33 = tpu.bitcast %shift_left3A_32 : vector<1024x128xi32> -> vector<1024x128xf32>
    %mul3A_34 = vector.broadcast %slice3A_29 : vector<1024x1xf32> to vector<1024x128xf32>
    %mul3A_35 = arith.mulf %mul3A_34, %bitcast_convert_type3A_33 : vector<1024x128xf32>
    %add3A_36 = arith.addf %add3A, %mul3A_35 : vector<1024x128xf32>
    %and3A_37 = arith.constant -65536 : i32
    %and3A_38 = vector.broadcast %and3A_37 : i32 to vector<1024x128xi32>
    %and3A_39 = arith.andi %get3A_28, %and3A_38 : vector<1024x128xi32>
    %bitcast_convert_type3A_40 = tpu.bitcast %and3A_39 : vector<1024x128xi32> -> vector<1024x128xf32>
    %mul3A_41 = vector.broadcast %slice3A_29 : vector<1024x1xf32> to vector<1024x128xf32>
    %mul3A_42 = arith.mulf %mul3A_41, %bitcast_convert_type3A_40 : vector<1024x128xf32>
    %add3A_43 = arith.addf %add3A_22, %mul3A_42 : vector<1024x128xf32>
    %get3A_44 = arith.constant 2 : index
    %get3A_45 = arith.constant 0 : index
    %get3A_46 = arith.constant 0 : index
    %get3A_47 = arith.constant 0 : index
    %get3A_48 = vector.load %arg1[%get3A_44, %get3A_45, %get3A_46, %get3A_47] : memref<4x1x1024x128xi32, #tpu.memory_space<vmem>>, vector<1x1x1024x128xi32>
    %get3A_49 = vector.shape_cast %get3A_48 : vector<1x1x1024x128xi32> to vector<1024x128xi32>
    %slice3A_50 = vector.extract_strided_slice %transpose3A {offsets = [0, 2], sizes = [1024, 1], strides = [1, 1]} : vector<1024x4xf32> to vector<1024x1xf32>
    %shift_left3A_51 = arith.constant 16 : i32
    %shift_left3A_52 = vector.broadcast %shift_left3A_51 : i32 to vector<1024x128xi32>
    %shift_left3A_53 = arith.shli %get3A_49, %shift_left3A_52 : vector<1024x128xi32>
    %bitcast_convert_type3A_54 = tpu.bitcast %shift_left3A_53 : vector<1024x128xi32> -> vector<1024x128xf32>
    %mul3A_55 = vector.broadcast %slice3A_50 : vector<1024x1xf32> to vector<1024x128xf32>
    %mul3A_56 = arith.mulf %mul3A_55, %bitcast_convert_type3A_54 : vector<1024x128xf32>
    %add3A_57 = arith.addf %add3A_36, %mul3A_56 : vector<1024x128xf32>
    %and3A_58 = arith.constant -65536 : i32
    %and3A_59 = vector.broadcast %and3A_58 : i32 to vector<1024x128xi32>
    %and3A_60 = arith.andi %get3A_49, %and3A_59 : vector<1024x128xi32>
    %bitcast_convert_type3A_61 = tpu.bitcast %and3A_60 : vector<1024x128xi32> -> vector<1024x128xf32>
    %mul3A_62 = vector.broadcast %slice3A_50 : vector<1024x1xf32> to vector<1024x128xf32>
    %mul3A_63 = arith.mulf %mul3A_62, %bitcast_convert_type3A_61 : vector<1024x128xf32>
    %add3A_64 = arith.addf %add3A_43, %mul3A_63 : vector<1024x128xf32>
    %get3A_65 = arith.constant 3 : index
    %get3A_66 = arith.constant 0 : index
    %get3A_67 = arith.constant 0 : index
    %get3A_68 = arith.constant 0 : index
    %get3A_69 = vector.load %arg1[%get3A_65, %get3A_66, %get3A_67, %get3A_68] : memref<4x1x1024x128xi32, #tpu.memory_space<vmem>>, vector<1x1x1024x128xi32>
    %get3A_70 = vector.shape_cast %get3A_69 : vector<1x1x1024x128xi32> to vector<1024x128xi32>
    %slice3A_71 = vector.extract_strided_slice %transpose3A {offsets = [0, 3], sizes = [1024, 1], strides = [1, 1]} : vector<1024x4xf32> to vector<1024x1xf32>
    %shift_left3A_72 = arith.constant 16 : i32
    %shift_left3A_73 = vector.broadcast %shift_left3A_72 : i32 to vector<1024x128xi32>
    %shift_left3A_74 = arith.shli %get3A_70, %shift_left3A_73 : vector<1024x128xi32>
    %bitcast_convert_type3A_75 = tpu.bitcast %shift_left3A_74 : vector<1024x128xi32> -> vector<1024x128xf32>
    %mul3A_76 = vector.broadcast %slice3A_71 : vector<1024x1xf32> to vector<1024x128xf32>
    %mul3A_77 = arith.mulf %mul3A_76, %bitcast_convert_type3A_75 : vector<1024x128xf32>
    %add3A_78 = arith.addf %add3A_57, %mul3A_77 : vector<1024x128xf32>
    %and3A_79 = arith.constant -65536 : i32
    %and3A_80 = vector.broadcast %and3A_79 : i32 to vector<1024x128xi32>
    %and3A_81 = arith.andi %get3A_70, %and3A_80 : vector<1024x128xi32>
    %bitcast_convert_type3A_82 = tpu.bitcast %and3A_81 : vector<1024x128xi32> -> vector<1024x128xf32>
    %mul3A_83 = vector.broadcast %slice3A_71 : vector<1024x1xf32> to vector<1024x128xf32>
    %mul3A_84 = arith.mulf %mul3A_83, %bitcast_convert_type3A_82 : vector<1024x128xf32>
    %add3A_85 = arith.addf %add3A_64, %mul3A_84 : vector<1024x128xf32>
    %concatenate3A = tpu.concatenate %add3A_78, %add3A_85 in 1 : vector<1024x128xf32>, vector<1024x128xf32> -> vector<1024x256xf32>
    %convert_element_type3A = arith.truncf %concatenate3A : vector<1024x256xf32> to vector<1024x256xbf16>
    %get3A_86 = arith.constant 0 : index
    %get3A_87 = arith.constant 0 : index
    %get3A_88 = arith.constant 0 : index
    %get3A_89 = arith.constant 0 : index
    %get3A_90 = vector.load %arg3[%get3A_86, %get3A_87, %get3A_88, %get3A_89] : memref<256x1x8x128xf32, #tpu.memory_space<vmem>>, vector<256x1x8x128xf32>
    %get3A_91 = vector.shape_cast %get3A_90 : vector<256x1x8x128xf32> to vector<256x8x128xf32>
    %reshape3A = vector.shape_cast %get3A_91 : vector<256x8x128xf32> to vector<256x1024xf32>
    %convert_element_type3A_92 = arith.truncf %reshape3A : vector<256x1024xf32> to vector<256x1024xbf16>
    %dot_general3A = arith.constant dense<0.000000e+00> : vector<1024x1024xf32>
    %dot_general3A_93 = tpu.matmul %convert_element_type3A, %convert_element_type3A_92, %dot_general3A {dimension_numbers = #tpu.dot_dimension_numbers<[1], [0], [0], [1], [0, 0, 1, 1], [], []>, transpose_lhs_hint = false} : vector<1024x256xbf16>, vector<256x1024xbf16>, vector<1024x1024xf32> -> vector<1024x1024xf32>
    %eq3A = arith.constant 0 : i32
    %eq3A_94 = arith.cmpi eq, %arg0, %eq3A : i32
    %convert_element_type3A_95 = arith.extui %eq3A_94 : i1 to i32
    %cond3A = arith.constant 0 : i32
    %cond3A_96 = arith.cmpi ne, %convert_element_type3A_95, %cond3A : i32
    scf.if %cond3A_96 {
      %swap3A = arith.constant 0 : index
      %swap3A_106 = arith.constant 0 : index
      %swap3A_107 = vector.load %arg5[%swap3A, %swap3A_106] : memref<1024x1024xf32, #tpu.memory_space<vmem>>, vector<1024x1024xf32>
      tpu.vector_store %arg5[%swap3A, %swap3A_106], %dot_general3A_93 {strides = array<i32>} : memref<1024x1024xf32, #tpu.memory_space<vmem>>, vector<1024x1024xf32>,
    } else {
    }
    %gt3A = arith.constant 0 : i32
    %gt3A_97 = arith.cmpi sgt, %arg0, %gt3A : i32
    %convert_element_type3A_98 = arith.extui %gt3A_97 : i1 to i32
    %cond3A_99 = arith.constant 0 : i32
    %cond3A_100 = arith.cmpi ne, %convert_element_type3A_98, %cond3A_99 : i32
    scf.if %cond3A_100 {
      %get3A_106 = arith.constant 0 : index
      %get3A_107 = arith.constant 0 : index
      %get3A_108 = vector.load %arg5[%get3A_106, %get3A_107] : memref<1024x1024xf32, #tpu.memory_space<vmem>>, vector<1024x1024xf32>
      %add3A_109 = arith.addf %get3A_108, %dot_general3A_93 : vector<1024x1024xf32>
      %swap3A = arith.constant 0 : index
      %swap3A_110 = arith.constant 0 : index
      %swap3A_111 = vector.load %arg5[%swap3A, %swap3A_110] : memref<1024x1024xf32, #tpu.memory_space<vmem>>, vector<1024x1024xf32>
      tpu.vector_store %arg5[%swap3A, %swap3A_110], %add3A_109 {strides = array<i32>} : memref<1024x1024xf32, #tpu.memory_space<vmem>>, vector<1024x1024xf32>,
    } else {
    }
    %eq3A_101 = arith.constant 23 : i32
    %eq3A_102 = arith.cmpi eq, %arg0, %eq3A_101 : i32
    %convert_element_type3A_103 = arith.extui %eq3A_102 : i1 to i32
    %cond3A_104 = arith.constant 0 : i32
    %cond3A_105 = arith.cmpi ne, %convert_element_type3A_103, %cond3A_104 : i32
    scf.if %cond3A_105 {
      %get3A_106 = arith.constant 0 : index
      %get3A_107 = arith.constant 0 : index
      %get3A_108 = vector.load %arg5[%get3A_106, %get3A_107] : memref<1024x1024xf32, #tpu.memory_space<vmem>>, vector<1024x1024xf32>
      %swap3A = arith.constant 0 : index
      %swap3A_109 = arith.constant 0 : index
      %swap3A_110 = vector.load %arg4[%swap3A, %swap3A_109] : memref<1024x1024xf32, #tpu.memory_space<vmem>>, vector<1024x1024xf32>
      tpu.vector_store %arg4[%swap3A, %swap3A_109], %get3A_108 {strides = array<i32>} : memref<1024x1024xf32, #tpu.memory_space<vmem>>, vector<1024x1024xf32>,
    } else {
    }
    return
  }
  func.func @transform_0(%arg0: i32) -> (i32, i32, i32, i32) {
    %c0_i32 = arith.constant 0 : i32
    %c0_i32_0 = arith.constant 0 : i32
    %c0_i32_1 = arith.constant 0 : i32
    %c0_i32_2 = arith.constant 0 : i32
    return %c0_i32, %arg0, %c0_i32_0, %c0_i32_1 : i32, i32, i32, i32
  }
  func.func @transform_1(%arg0: i32) -> (i32, i32, i32, i32) {
    %add3A = arith.constant 0 : i32
    %add3A_0 = arith.addi %arg0, %add3A : i32
    %c0_i32 = arith.constant 0 : i32
    %c0_i32_1 = arith.constant 0 : i32
    %c0_i32_2 = arith.constant 0 : i32
    %c0_i32_3 = arith.constant 0 : i32
    return %c0_i32, %add3A_0, %c0_i32_1, %c0_i32_2 : i32, i32, i32, i32
  }
  func.func @transform_2(%arg0: i32) -> (i32, i32, i32, i32) {
    %add3A = arith.constant 0 : i32
    %add3A_0 = arith.addi %arg0, %add3A : i32
    %c0_i32 = arith.constant 0 : i32
    %c0_i32_1 = arith.constant 0 : i32
    %c0_i32_2 = arith.constant 0 : i32
    %c0_i32_3 = arith.constant 0 : i32
    return %c0_i32, %add3A_0, %c0_i32_1, %c0_i32_2 : i32, i32, i32, i32
  }
  func.func @transform_3(%arg0: i32) -> (i32, i32) {
    %c0_i32 = arith.constant 0 : i32
    %c0_i32_0 = arith.constant 0 : i32
    %c0_i32_1 = arith.constant 0 : i32
    return %c0_i32, %c0_i32_0 : i32, i32
  }
}

module attributes {stable_mosaic.version = 14 : i64} {
  func.func @_head_body(%arg0: memref<1024x1024xf32, #tpu.memory_space<vmem>>, %arg1: memref<1024x1024xf32, #tpu.memory_space<vmem>>, %arg2: memref<1x1024xf32, #tpu.memory_space<vmem>>, %arg3: memref<1024x1024xf32, #tpu.memory_space<vmem>>, %arg4: memref<1x1024xf32, #tpu.memory_space<vmem>>, %arg5: memref<1024x128xf32, #tpu.memory_space<vmem>>, %arg6: memref<1x128xf32, #tpu.memory_space<vmem>>, %arg7: memref<1024x384xf32, #tpu.memory_space<vmem>>, %arg8: memref<1x384xf32, #tpu.memory_space<vmem>>, %arg9: memref<1024x128xf32, #tpu.memory_space<vmem>>, %arg10: memref<1024x384xf32, #tpu.memory_space<vmem>>) attributes {dimension_semantics = [], scalar_prefetch = 0 : i64, scratch_operands = 0 : i64, tpu.core_type = #tpu.core_type<tc>} {
    %get3A = arith.constant 0 : index
    %get3A_0 = arith.constant 0 : index
    %get3A_1 = vector.load %arg0[%get3A, %get3A_0] : memref<1024x1024xf32, #tpu.memory_space<vmem>>, vector<1024x1024xf32>
    %get3A_2 = arith.constant 0 : index
    %get3A_3 = arith.constant 0 : index
    %get3A_4 = vector.load %arg1[%get3A_2, %get3A_3] : memref<1024x1024xf32, #tpu.memory_space<vmem>>, vector<1024x1024xf32>
    %add3A = arith.addf %get3A_1, %get3A_4 : vector<1024x1024xf32>
    %get3A_5 = arith.constant 0 : index
    %get3A_6 = arith.constant 0 : index
    %get3A_7 = vector.load %arg2[%get3A_5, %get3A_6] : memref<1x1024xf32, #tpu.memory_space<vmem>>, vector<1x1024xf32>
    %add3A_8 = vector.broadcast %get3A_7 : vector<1x1024xf32> to vector<1024x1024xf32>
    %add3A_9 = arith.addf %add3A, %add3A_8 : vector<1024x1024xf32>
    %max3A = arith.constant 0.000000e+00 : f32
    %max3A_10 = vector.broadcast %max3A : f32 to vector<1024x1024xf32>
    %max3A_11 = arith.maximumf %add3A_9, %max3A_10 : vector<1024x1024xf32>
    %convert_element_type3A = arith.truncf %max3A_11 : vector<1024x1024xf32> to vector<1024x1024xbf16>
    %get3A_12 = arith.constant 0 : index
    %get3A_13 = arith.constant 0 : index
    %get3A_14 = vector.load %arg3[%get3A_12, %get3A_13] : memref<1024x1024xf32, #tpu.memory_space<vmem>>, vector<1024x1024xf32>
    %convert_element_type3A_15 = arith.truncf %get3A_14 : vector<1024x1024xf32> to vector<1024x1024xbf16>
    %dot_general3A = arith.constant dense<0.000000e+00> : vector<1024x1024xf32>
    %dot_general3A_16 = tpu.matmul %convert_element_type3A, %convert_element_type3A_15, %dot_general3A {dimension_numbers = #tpu.dot_dimension_numbers<[1], [0], [0], [1], [0, 0, 1, 1], [], []>, transpose_lhs_hint = false} : vector<1024x1024xbf16>, vector<1024x1024xbf16>, vector<1024x1024xf32> -> vector<1024x1024xf32>
    %get3A_17 = arith.constant 0 : index
    %get3A_18 = arith.constant 0 : index
    %get3A_19 = vector.load %arg4[%get3A_17, %get3A_18] : memref<1x1024xf32, #tpu.memory_space<vmem>>, vector<1x1024xf32>
    %add3A_20 = vector.broadcast %get3A_19 : vector<1x1024xf32> to vector<1024x1024xf32>
    %add3A_21 = arith.addf %dot_general3A_16, %add3A_20 : vector<1024x1024xf32>
    %max3A_22 = arith.constant 0.000000e+00 : f32
    %max3A_23 = vector.broadcast %max3A_22 : f32 to vector<1024x1024xf32>
    %max3A_24 = arith.maximumf %add3A_21, %max3A_23 : vector<1024x1024xf32>
    %convert_element_type3A_25 = arith.truncf %max3A_24 : vector<1024x1024xf32> to vector<1024x1024xbf16>
    %get3A_26 = arith.constant 0 : index
    %get3A_27 = arith.constant 0 : index
    %get3A_28 = vector.load %arg5[%get3A_26, %get3A_27] : memref<1024x128xf32, #tpu.memory_space<vmem>>, vector<1024x128xf32>
    %convert_element_type3A_29 = arith.truncf %get3A_28 : vector<1024x128xf32> to vector<1024x128xbf16>
    %dot_general3A_30 = arith.constant dense<0.000000e+00> : vector<1024x128xf32>
    %dot_general3A_31 = tpu.matmul %convert_element_type3A_25, %convert_element_type3A_29, %dot_general3A_30 {dimension_numbers = #tpu.dot_dimension_numbers<[1], [0], [0], [1], [0, 0, 1, 1], [], []>, transpose_lhs_hint = false} : vector<1024x1024xbf16>, vector<1024x128xbf16>, vector<1024x128xf32> -> vector<1024x128xf32>
    %get3A_32 = arith.constant 0 : index
    %get3A_33 = arith.constant 0 : index
    %get3A_34 = vector.load %arg6[%get3A_32, %get3A_33] : memref<1x128xf32, #tpu.memory_space<vmem>>, vector<1x128xf32>
    %add3A_35 = vector.broadcast %get3A_34 : vector<1x128xf32> to vector<1024x128xf32>
    %add3A_36 = arith.addf %dot_general3A_31, %add3A_35 : vector<1024x128xf32>
    %swap3A = arith.constant 0 : index
    %swap3A_37 = arith.constant 0 : index
    %swap3A_38 = vector.load %arg9[%swap3A, %swap3A_37] : memref<1024x128xf32, #tpu.memory_space<vmem>>, vector<1024x128xf32>
    tpu.vector_store %arg9[%swap3A, %swap3A_37], %add3A_36 {strides = array<i32>} : memref<1024x128xf32, #tpu.memory_space<vmem>>, vector<1024x128xf32>,
    %get3A_39 = arith.constant 0 : index
    %get3A_40 = arith.constant 0 : index
    %get3A_41 = vector.load %arg7[%get3A_39, %get3A_40] : memref<1024x384xf32, #tpu.memory_space<vmem>>, vector<1024x384xf32>
    %convert_element_type3A_42 = arith.truncf %get3A_41 : vector<1024x384xf32> to vector<1024x384xbf16>
    %dot_general3A_43 = arith.constant dense<0.000000e+00> : vector<1024x384xf32>
    %dot_general3A_44 = tpu.matmul %convert_element_type3A_25, %convert_element_type3A_42, %dot_general3A_43 {dimension_numbers = #tpu.dot_dimension_numbers<[1], [0], [0], [1], [0, 0, 1, 1], [], []>, transpose_lhs_hint = false} : vector<1024x1024xbf16>, vector<1024x384xbf16>, vector<1024x384xf32> -> vector<1024x384xf32>
    %get3A_45 = arith.constant 0 : index
    %get3A_46 = arith.constant 0 : index
    %get3A_47 = vector.load %arg8[%get3A_45, %get3A_46] : memref<1x384xf32, #tpu.memory_space<vmem>>, vector<1x384xf32>
    %add3A_48 = vector.broadcast %get3A_47 : vector<1x384xf32> to vector<1024x384xf32>
    %add3A_49 = arith.addf %dot_general3A_44, %add3A_48 : vector<1024x384xf32>
    %swap3A_50 = arith.constant 0 : index
    %swap3A_51 = arith.constant 0 : index
    %swap3A_52 = vector.load %arg10[%swap3A_50, %swap3A_51] : memref<1024x384xf32, #tpu.memory_space<vmem>>, vector<1024x384xf32>
    tpu.vector_store %arg10[%swap3A_50, %swap3A_51], %add3A_49 {strides = array<i32>} : memref<1024x384xf32, #tpu.memory_space<vmem>>, vector<1024x384xf32>,
    return
  }
}

</mosaic_0001>

<sc_bundles>
// kernel: kernel.12.cloned.1.call-start
scs
__scs_entry_jumppad:
0x0: {  	(pc) =	sbr.rel $0x88, $3  }
0x1: {  	(tag) =	ssettag $0x0;
	lr =	simm.s32 $0x1  }
0x2: {  	[smem:$0x3F94] =	sst lr;
	_ =	strace $0xD0000000  }
0x3: {  	_ = 	snop  }
0x4: {  	_ = 	snop  }
0x5: {  	_ = 	snop  }
0x6: {  	_ = 	snop  }
0x7: {  	_ = 	snop  }
__scs_overlays_trampoline_lowered:
0x8: {  	[smem:$0x3FA3] =	sst s0  }
0x9: {  	[smem:$0x3FA4] =	sst s1  }
0xa: {  	[smem:$0x3FA5] =	sst s2  }
0xb: {  	[smem:$0x3FA6] =	sst s3  }
0xc: {  	[smem:$0x3FA7] =	sst s4  }
0xd: {  	[smem:$0x3FA8] =	sst s5  }
0xe: {  	[smem:$0x3FA9] =	sst s6  }
0xf: {  	[smem:$0x3FAA] =	sst s7  }
0x10: {  	[smem:$0x3FAB] =	sst s8  }
0x11: {  	[smem:$0x3FAC] =	sst s9;
	s0 =	simm.s32 @!p0 $0x0  }
0x12: {  	s1 =	sld [smem:$0x3F92];
	s0 =	simm.s32 @p0 $0x1  }
0x13: {  	[smem:$0x3FAD] =	sst s0;
	s0 =	simm.s32 @!p1 $0x0  }
0x14: {  	s2 =	sld [smem:$0x3F91];
	s0 =	simm.s32 @p1 $0x1  }
0x15: {  	[smem:$0x3FAE] =	sst s0;
	s0 =	simm.s32 @!p2 $0x0  }
0x16: {  	s3 =	sld [smem:$0x3FDB];
	s0 =	simm.s32 @p2 $0x1  }
0x17: {  	s4 =	simm.s32 $0x1BF5;
	[smem:$0x3FB0] =	sst s0  }
0x18: {  	s0 =	sld [smem:$0x3F93];
	_ =	swait.ge [sflag:s4], $0x0  }
0x19: {  	s7 =	sld [smem:$0x3F94]  }
0x1a: {  	s8 =	sadd.s32 $0xFFFFE003, lr  }
0x1b: {  	s9 =	sadd.s32 $0xFFFFFEF7, lr;
	s5 =	simm.s32 $0xFFFFFFFF;
	p2 =	slt.u32 s8, $0xFFFFF086  }
0x1c: {  	p1 =	slt.u32 s9, $0xF7A;
	s5 =	simm.s32 @!p2 $0x0  }
0x1d: {  	s5 =	simm.s32 @p1 $0x1;
	p0 =	seq.s32 s7, s2  }
0x1e: {  	s7 =	smul.u32 @!p0 $0xF7A, s2;
	p2 =	seq.s32 @!p0 s5, $0x0  }
0x1f: {  	s9 =	smul.u32 $0xF7A, s1;
	s8 =	simm.s32 @!p0 $0x1BF5;
	p2 =	por !p2, p0  }
0x20: {  	[sflag:s8] =	ssyncset.s32 @!p0 $0xFFFFF086;
	s6 =	sadd.s32 @!p0 s3, s7;
	s7 =	simm.s32 @!p0 $0x108  }
0x21: {  	s3 =	sadd.s32 s3, s9;
	s6 =	sadd.s32 @!p0 $0x88, s6;
	s7 =	simm.s32 @p2 $0x1082  }
0x22: {  	[simem:s7], [sflag:s8] =	dma.local @!p0 [hbm:s6], $0xF7A  }
0x23: {  	s9 =	sor.u32 $0xD0000000, s2;
	s6 =	simm.s32 $0x108;
	_ =	swait.ge @!p0 [sflag:s8], $0x0  }
0x24: {  	s3 =	sadd.s32 $0x88, s3;
	s6 =	simm.s32 @!p1 $0x1082;
	[sflag:s4] =	ssyncset.s32 $0xFFFFF086  }
0x25: {  	[simem:s6], [sflag:s4] =	dma.local [hbm:s3], $0xF7A  }
0x26: {  	[smem:$0x3F94] =	sst s1;
	(tag) =	ssettag s2;
	_ =	strace s9  }
0x27: {  	s1 =	sld [smem:$0x3FA4]  }
0x28: {  	s2 =	sld [smem:$0x3FA5]  }
0x29: {  	s4 =	sld [smem:$0x3FA7]  }
0x2a: {  	p0 =	seq.s32 s5, $0x0;
	s5 =	sld [smem:$0x3FA8]  }
0x2b: {  	s6 =	sld [smem:$0x3FA9]  }
0x2c: {  	s7 =	sld [smem:$0x3FAA]  }
0x2d: {  	s3 =	simm.s32 $0x108;
	s8 =	sld [smem:$0x3FAB]  }
0x2e: {  	s3 =	simm.s32 @!p0 $0x1082;
	s9 =	sld [smem:$0x3FAC]  }
0x2f: {  	lr =	sadd.s32 s0, s3;
	s0 =	sld [smem:$0x3FA3]  }
0x30: {  	s3 =	sld [smem:$0x3FA6]  }
0x31: {  	[smem:$0x3FAF] =	sst s10  }
0x32: {  	s10 =	sld [smem:$0x3FAD];
	_ =	sdelay $0x3  }
0x33: {  	p0 =	seq.s32 s10, $0x1;
	s10 =	sld [smem:$0x3FAF];
	_ =	sdelay $0x3  }
0x34: {  	[smem:$0x3FAF] =	sst s10  }
0x35: {  	s10 =	sld [smem:$0x3FAE];
	_ =	sdelay $0x3  }
0x36: {  	p1 =	seq.s32 s10, $0x1;
	s10 =	sld [smem:$0x3FAF];
	_ =	sdelay $0x3  }
0x37: {  	[smem:$0x3FAF] =	sst s10  }
0x38: {  	s10 =	sld [smem:$0x3FB0]  }
0x39: {  	_ = 	snop;
	(pc) =	sbr.ind lr, $3  }
0x3a: {  	_ = 	snop  }
0x3b: {  	_ = 	snop  }
0x3c: {  	p2 =	seq.s32 s10, $0x1;
	s10 =	sld [smem:$0x3FAF]  }
0x3d: {  	_ =	shalt  }
0x3e: {  	_ =	shalt  }
0x3f: {  	_ =	shalt  }
0x40: {  	_ =	shalt  }
0x41: {  	_ =	shalt  }
0x42: {  	_ =	shalt  }
0x43: {  	_ =	shalt  }
0x44: {  	_ =	shalt  }
0x45: {  	_ =	shalt  }
0x46: {  	_ =	shalt  }
0x47: {  	_ =	shalt  }
0x48: {  	_ =	shalt  }
0x49: {  	_ =	shalt  }
0x4a: {  	_ =	shalt  }
0x4b: {  	_ =	shalt  }
0x4c: {  	_ =	shalt  }
0x4d: {  	_ =	shalt  }
0x4e: {  	_ =	shalt  }
0x4f: {  	_ =	shalt  }
0x50: {  	_ =	shalt  }
0x51: {  	_ =	shalt  }
0x52: {  	_ =	shalt  }
0x53: {  	_ =	shalt  }
0x54: {  	_ =	shalt  }
0x55: {  	_ =	shalt  }
0x56: {  	_ =	shalt  }
0x57: {  	_ =	shalt  }
0x58: {  	_ =	shalt  }
0x59: {  	_ =	shalt  }
0x5a: {  	_ =	shalt  }
0x5b: {  	_ =	shalt  }
0x5c: {  	_ =	shalt  }
0x5d: {  	_ =	shalt  }
0x5e: {  	_ =	shalt  }
0x5f: {  	_ =	shalt  }
0x60: {  	_ =	shalt  }
0x61: {  	_ =	shalt  }
0x62: {  	_ =	shalt  }
0x63: {  	_ =	shalt  }
0x64: {  	_ =	shalt  }
0x65: {  	_ =	shalt  }
0x66: {  	_ =	shalt  }
0x67: {  	_ =	shalt  }
0x68: {  	_ =	shalt  }
0x69: {  	_ =	shalt  }
0x6a: {  	_ =	shalt  }
0x6b: {  	_ =	shalt  }
0x6c: {  	_ =	shalt  }
0x6d: {  	_ =	shalt  }
0x6e: {  	_ =	shalt  }
0x6f: {  	_ =	shalt  }
0x70: {  	_ =	shalt  }
0x71: {  	_ =	shalt  }
0x72: {  	_ =	shalt  }
0x73: {  	_ =	shalt  }
0x74: {  	_ =	shalt  }
0x75: {  	_ =	shalt  }
0x76: {  	_ =	shalt  }
0x77: {  	_ =	shalt  }
0x78: {  	_ =	shalt  }
0x79: {  	_ =	shalt  }
0x7a: {  	_ =	shalt  }
0x7b: {  	_ =	shalt  }
0x7c: {  	_ =	shalt  }
0x7d: {  	_ =	shalt  }
0x7e: {  	_ =	shalt  }
0x7f: {  	_ =	shalt  }
0x80: {  	_ =	shalt  }
0x81: {  	_ =	shalt  }
0x82: {  	_ =	shalt  }
0x83: {  	_ =	shalt  }
0x84: {  	_ =	shalt  }
0x85: {  	_ =	shalt  }
0x86: {  	_ =	shalt  }
0x87: {  	_ =	shalt  }
.Lfunc_end0:
.L_simem_size_0:
called_computation_lowered:
.L_overlay_start_0:
0x88: {  	s2 =	sld [smem:$0x3FD9]  }
0x89: {  	s3 =	sld [smem:$0x3FFE];
	_ =	sdelay $0x1  }
0x8a: {  	s1 =	srdreg.scid  }
0x8b: {  	s0 =	sand.u32 $0x1, s1  }
0x8c: {  	s16 =	sshll.u32 s0, $0xA;
	s2 =	sadd.s32 s3, s2  }
0x8d: {  	s2 =	sadd.s32 s2, s16  }
0x8e: {  	[smem:$0x3FBB] =	sst s2  }
0x8f: {  	_ = 	snop  }
0x90: {  	(tm) =	ssettm $0x1  }
0x91: {  	s17 =	sld [smem:$0x3FFB];
	_ =	sdelay $0x3  }
0x92: {  	_ =	strace s17  }
0x93: {  	s2 =	sld [smem:$0x3FFC];
	_ =	sdelay $0x3  }
0x94: {  	_ =	strace s2  }
0x95: {  	s2 =	sld [smem:$0x3FFD];
	_ =	sdelay $0x3  }
0x96: {  	_ =	strace s2  }
0x97: {  	_ =	strace $0x8FFFFFFF  }
0x98: {  	s18 =	sld [smem:$0x3FDB];
	_ =	sdelay $0x1  }
0x99: {  	s19 =	simm.s32 $_scs_section_size  }
0x9a: {  	s4 =	simm.s32 $_size__tile_overlayer_lowered;
	s5 =	simm.s32 $_tile_overlayer_lowered  }
0x9b: {  	s22 =	simm.s32 $0x1BFF;
	s21 =	sshll.u32 s5, $0x1;
	s2 =	sadd.s32 s19, s18  }
0x9c: {  	s6 =	simm.s32 $0x0;
	s20 =	sshll.u32 s4, $0x1;
	s4 =	sadd.s32 s21, s2  }
0x9d: {  	[timem:s6], [sflag:s22] =	dma.local [hbm:s4], s20  }
0x9e: {  	_ =	swait.ge [sflag:s22], s20  }
0x9f: {  	s3 =	ssub.s32 $0x0, s20;
	[sflag:s22] =	ssyncset.done $0x0  }
0xa0: {  	[sflag:s22] =	ssyncadd.s32 s3;
	_ =	sdelay $0x1  }
0xa1: {  	s23 =	simm.s32 $0x1B8B  }
0xa2: {  	_ =	swait.ge [sflag:s23], $0x1  }
0xa3: {  	[sflag:s23] =	ssyncset.done $0x0  }
0xa4: {  	s25 =	simm.s32 $0x1B8E;
	s24 =	sld [smem:$0x3FFE];
	[sflag:s23] =	ssyncadd.s32 $0xFFFFFFFF  }
0xa5: {  	s26 =	simm.s32 $execute0_lowered;
	[smem:$0x3FD2] =	sst s25  }
0xa6: {  	s4 =	sshll.u32 s26, $0x1;
	_ =	strace $0x80000046;
	[dreg:$0x1] =	wrdreg $0xFFFFFFFF  }
0xa7: {  	s28 =	simm.s32 $_size_execute0_lowered;
	s2 =	sadd.s32 s2, s4;
	[dreg:$0x0] =	wrdreg $0x0  }
0xa8: {  	s4 =	sshll.u32 s28, $0x1;
	[dreg:$0x2] =	wrdreg s2  }
0xa9: {  	[dreg:$0x3] =	wrdreg s4  }
0xaa: {  	[dreg:$0x4] =	wrdreg $0xC0  }
0xab: {  	_ =	task [dreg:s6], $0x5FFFF  }
0xac: {  	[dreg:$0x1] =	wrdreg $0xFFFFFFFF  }
0xad: {  	[dreg:$0x0] =	wrdreg $0x60  }
0xae: {  	[dreg:$0x2] =	wrdreg s24  }
0xaf: {  	[dreg:$0x3] =	wrdreg $0x9  }
0xb0: {  	_ =	task.clear_ibuf [dreg:s6], $0x4FFFF;
	_ =	strace $0x90000046  }
0xb1: {  	s29 =	simm.s32 $0x9;
	_ =	strace $0x80000048  }
0xb2: {  	_ =	swait.ge [sflag:s29], $0x1  }
0xb3: {  	[sflag:s29] =	ssyncadd.s32 $0xFFFFFFFF  }
0xb4: {  	_ =	strace $0x90000048  }
0xb5: {  	_ =	sfence  }
0xb6: {  	s30 =	sld [smem:$0x0];
	_ =	sdelay $0x2  }
0xb7: {  	s31 =	sshll.u32 s1, $0xD;
	s1 =	sshrl.u32 s1, $0x2  }
0xb8: {  	s3 =	sand.u32 $0x4000, s31;
	s1 =	sadd.s32 s1, s30  }
0xb9: {  	s0 =	sor.u32 s3, s0;
	s1 =	sshll.u32 s1, $0x11  }
0xba: {  	s0 =	sor.u32 s1, s0  }
0xbb: {  	s0 =	sadd.s32 $0x8F2B, s0  }
0xbc: {  	[sflag:s0] =	ssyncadd.remote.s32 $0x1  }
0xbd: {  	_ =	sfence.sel $0xFFFF  }
0xbe: {  	[dreg:$0x0] =	wrdreg $0xFFFFFFFF;
	(pc) =	sbr.abs _section_cstart, $3  }
0xbf: {  	[dreg:$0x1] =	wrdreg $0xFFFFFFFF  }
0xc0: {  	_ =	task.clear_ibuf [dreg:s6], $0x2FFFF;
	_ =	strace $0x9FFFFFFF  }
0xc1: {  	(tm) =	ssettm $0x7FFFFFFF  }
tec
execute0_lowered:
.L_overlay_start_1:
0x0: {  	(tag) =	ssettag $0x1  }
0x1: {  	s1 =	srdreg.scid  }
0x2: {  	s0 =	stileid.u32;
	s4 =	rddreg [dreg:$0x0];
	s2 =	simm.s32 $0x0  }
0x3: {  	s15 =	simm.s32 $0x2C00;
	s16 =	simm.s32 $0x80;
	s17 =	simm.s32 $0x4C00  }
0x4: {  	s18 =	simm.s32 $0xC0;
	s19 =	simm.s32 $0x6C00;
	s20 =	simm.s32 $0x1  }
0x5: {  	s21 =	simm.s32 $0x2;
	s22 =	simm.s32 $0x3;
	s12 =	smul.u32 $0xC0000, s0  }
0x6: {  	s23 =	simm.s32 $0x4;
	s9 =	sand.u32 $0x1, s1;
	s14 =	smul.u32 $0x18000, s0  }
0x7: {  	s24 =	simm.s32 $0x0;
	s26 =	sshll.u32 s0, $0x1;
	s13 =	smul.u32 $0x60000, s9  }
0x8: {  	s1 =	rddreg [dreg:$0x1];
	s3 =	sor.u32 s9, s26;
	s29 =	smul.u32 $0xC000, s9  }
0x9: {  	[smem:$0x7FF] =	sst s2;
	s10 =	sadd.s32 $0x151600, s4;
	s5 =	smul.u32 $0xC00, s3  }
0xa: {  	_ =	strace $0x80000047;
	s7 =	ssub.s32 $0x2, s9;
	s6 =	smul.u32 $0x60000, s3  }
0xb: {  	s3 =	sadd.s32 $0x12A00, s4;
	s28 =	sshrl.u32 s7, $0x1;
	s31 =	sadd.s32 s14, s10  }
0xc: {  	s14 =	simm.s32 $0xC00;
	s11 =	ssub.s32 s7, s28;
	s12 =	sadd.s32 s13, s12  }
0xd: {  	s13 =	simm.s32 $0x40;
	s5 =	sshrl.u32 s5, $0x3;
	s6 =	sshrl.u32 s6, $0x3  }
0xe: {  	s9 =	smax.u32 s11, $0x1;
	s30 =	sshrl.u32 s12, $0x3;
	s11 =	sadd.s32 s29, s31  }
0xf: {  	s12 =	simm.s32 $0x5;
	s5 =	sadd.s32 s5, s4;
	s8 =	sadd.s32 s10, s6  }
0x10: {  	s10 =	sadd.s32 s30, s10;
	s4 =	sadd.s32 $0xFA00, s5;
	s5 =	sadd.s32 $0xB000, s8  }
0x11: {  	s6 =	sadd.s32 $0xB400, s8;
	s7 =	sadd.s32 $0xB800, s8;
	s8 =	sadd.s32 $0xBC00, s8  }
.LBB2_1:
0x12: {  	[tilespmem:s2], [sflag:$0x5] =	stream.linear.gather [hbm4b:s4+s2], $0xC00, $0x38;
	[tilespmem:$0x8C00] =	vst v63  }
0x13: {  	_ =	swait.ge [sflag:s12], $0xC00  }
0x14: {  	[sflag:s12] =	ssyncset.done $0x0  }
0x15: {  	[sflag:s12] =	ssyncadd.s32 $0xFFFFF400  }
0x16: {  	[tilespmem:s14], [sflag:$0x1] =	stream.indirect.gather [hbm4b:s3+s13], $0x80, s2, s13, $0xb8;
	[tilespmem:$0x8C00] =	vst v63  }
0x17: {  	_ = 	snop  }
0x18: {  	[tilespmem:s15], [sflag:$0x2] =	stream.indirect.gather [hbm4b:s3+s13], $0x80, s13, s13, $0xb8;
	[tilespmem:$0x8C00] =	vst v63  }
0x19: {  	_ = 	snop  }
0x1a: {  	[tilespmem:s17], [sflag:$0x3] =	stream.indirect.gather [hbm4b:s3+s13], $0x80, s16, s13, $0xb8;
	[tilespmem:$0x8C00] =	vst v63  }
0x1b: {  	_ = 	snop  }
0x1c: {  	[tilespmem:s19], [sflag:$0x4] =	stream.indirect.gather [hbm4b:s3+s13], $0x80, s18, s13, $0xb8;
	[tilespmem:$0x8C00] =	vst v63  }
0x1d: {  	_ =	swait.ge [sflag:s20], $0x2000  }
0x1e: {  	[sflag:s20] =	ssyncset.done $0x0  }
0x1f: {  	s25 =	sadd.s32 $0x0, s10;
	[sflag:s20] =	ssyncadd.s32 $0xFFFFE000  }
0x20: {  	[hbm4b:s25+s2] =	stream.linear.scatter [tilespmem:s14], [sflag:$0x5], $0x2000, $0x38;
	[tilespmem:$0x8C00] =	vst v63  }
0x21: {  	_ =	swait.ge [sflag:s12], $0x2000  }
0x22: {  	[sflag:s12] =	ssyncset.done $0x0  }
0x23: {  	s26 =	simm.s32 $0x100;
	[sflag:s12] =	ssyncadd.s32 $0xFFFFE000  }
0x24: {  	[tilespmem:s14], [sflag:$0x1] =	stream.indirect.gather [hbm4b:s3+s13], $0x80, s26, s13, $0xb8;
	[tilespmem:$0x8C00] =	vst v63  }
0x25: {  	_ =	swait.ge [sflag:s21], $0x2000  }
0x26: {  	s25 =	sadd.s32 $0x0, s11;
	[sflag:s21] =	ssyncset.done $0x0  }
0x27: {  	s26 =	sadd.s32 $0x400, s25;
	[sflag:s21] =	ssyncadd.s32 $0xFFFFE000  }
0x28: {  	[hbm4b:s26+s2] =	stream.linear.scatter [tilespmem:s15], [sflag:$0x5], $0x2000, $0x38;
	[tilespmem:$0x8C00] =	vst v63  }
0x29: {  	_ =	swait.ge [sflag:s12], $0x2000  }
0x2a: {  	[sflag:s12] =	ssyncset.done $0x0  }
0x2b: {  	s29 =	simm.s32 $0x140;
	[sflag:s12] =	ssyncadd.s32 $0xFFFFE000  }
0x2c: {  	[tilespmem:s15], [sflag:$0x2] =	stream.indirect.gather [hbm4b:s3+s13], $0x80, s29, s13, $0xb8;
	[tilespmem:$0x8C00] =	vst v63  }
0x2d: {  	_ =	swait.ge [sflag:s22], $0x2000  }
0x2e: {  	[sflag:s22] =	ssyncset.done $0x0  }
0x2f: {  	s30 =	sadd.s32 $0x800, s25;
	[sflag:s22] =	ssyncadd.s32 $0xFFFFE000  }
0x30: {  	[hbm4b:s30+s2] =	stream.linear.scatter [tilespmem:s17], [sflag:$0x5], $0x2000, $0x38;
	[tilespmem:$0x8C00] =	vst v63  }
0x31: {  	_ =	swait.ge [sflag:s12], $0x2000  }
0x32: {  	[sflag:s12] =	ssyncset.done $0x0  }
0x33: {  	s31 =	simm.s32 $0x180;
	[sflag:s12] =	ssyncadd.s32 $0xFFFFE000  }
0x34: {  	[tilespmem:s17], [sflag:$0x3] =	stream.indirect.gather [hbm4b:s3+s13], $0x80, s31, s13, $0xb8;
	[tilespmem:$0x8C00] =	vst v63  }
0x35: {  	_ =	swait.ge [sflag:s23], $0x2000  }
0x36: {  	[sflag:s23] =	ssyncset.done $0x0  }
0x37: {  	s25 =	sadd.s32 $0xC00, s25;
	[sflag:s23] =	ssyncadd.s32 $0xFFFFE000  }
0x38: {  	[hbm4b:s25+s2] =	stream.linear.scatter [tilespmem:s19], [sflag:$0x5], $0x2000, $0x38;
	[tilespmem:$0x8C00] =	vst v63  }
0x39: {  	_ =	swait.ge [sflag:s12], $0x2000  }
0x3a: {  	s28 =	simm.s32 $0x2C0;
	[sflag:s12] =	ssyncset.done $0x0  }
0x3b: {  	s26 =	simm.s32 $0x1000;
	s25 =	simm.s32 $0x1C0;
	[sflag:s12] =	ssyncadd.s32 $0xFFFFE000  }
.LBB2_2:
0x3c: {  	[tilespmem:s19], [sflag:$0x4] =	stream.indirect.gather [hbm4b:s3+s13], $0x80, s25, s13, $0xb8;
	[tilespmem:$0x8C00] =	vst v63  }
0x3d: {  	s29 =	smov.u32 s26;
	s25 =	smov.u32 s28  }
0x3e: {  	p0 =	sne.s32 s26, $0xA000;
	s26 =	sadd.s32 $0x1000, s26;
	_ =	swait.ge [sflag:s20], $0x2000  }
0x3f: {  	[sflag:s20] =	ssyncset.done $0x0  }
0x40: {  	s30 =	sadd.s32 s29, s10;
	[sflag:s20] =	ssyncadd.s32 $0xFFFFE000  }
0x41: {  	[hbm4b:s30+s2] =	stream.linear.scatter [tilespmem:s14], [sflag:$0x5], $0x2000, $0x38;
	[tilespmem:$0x8C00] =	vst v63  }
0x42: {  	_ =	swait.ge [sflag:s12], $0x2000  }
0x43: {  	[sflag:s12] =	ssyncset.done $0x0  }
0x44: {  	s30 =	sadd.s32 $0xFFFFFF40, s28;
	[sflag:s12] =	ssyncadd.s32 $0xFFFFE000  }
0x45: {  	[tilespmem:s14], [sflag:$0x1] =	stream.indirect.gather [hbm4b:s3+s13], $0x80, s30, s13, $0xb8;
	[tilespmem:$0x8C00] =	vst v63  }
0x46: {  	_ =	swait.ge [sflag:s21], $0x2000  }
0x47: {  	s29 =	sadd.s32 s29, s11;
	[sflag:s21] =	ssyncset.done $0x0  }
0x48: {  	s30 =	sadd.s32 $0x400, s29;
	[sflag:s21] =	ssyncadd.s32 $0xFFFFE000  }
0x49: {  	[hbm4b:s30+s2] =	stream.linear.scatter [tilespmem:s15], [sflag:$0x5], $0x2000, $0x38;
	[tilespmem:$0x8C00] =	vst v63  }
0x4a: {  	_ =	swait.ge [sflag:s12], $0x2000  }
0x4b: {  	[sflag:s12] =	ssyncset.done $0x0  }
0x4c: {  	s30 =	sadd.s32 $0xFFFFFF80, s28;
	[sflag:s12] =	ssyncadd.s32 $0xFFFFE000  }
0x4d: {  	[tilespmem:s15], [sflag:$0x2] =	stream.indirect.gather [hbm4b:s3+s13], $0x80, s30, s13, $0xb8;
	[tilespmem:$0x8C00] =	vst v63  }
0x4e: {  	_ =	swait.ge [sflag:s22], $0x2000  }
0x4f: {  	[sflag:s22] =	ssyncset.done $0x0  }
0x50: {  	s30 =	sadd.s32 $0x800, s29;
	[sflag:s22] =	ssyncadd.s32 $0xFFFFE000  }
0x51: {  	[hbm4b:s30+s2] =	stream.linear.scatter [tilespmem:s17], [sflag:$0x5], $0x2000, $0x38;
	[tilespmem:$0x8C00] =	vst v63  }
0x52: {  	_ =	swait.ge [sflag:s12], $0x2000  }
0x53: {  	[sflag:s12] =	ssyncset.done $0x0  }
0x54: {  	s30 =	sadd.s32 $0xFFFFFFC0, s28;
	[sflag:s12] =	ssyncadd.s32 $0xFFFFE000  }
0x55: {  	[tilespmem:s17], [sflag:$0x3] =	stream.indirect.gather [hbm4b:s3+s13], $0x80, s30, s13, $0xb8;
	[tilespmem:$0x8C00] =	vst v63  }
0x56: {  	_ =	swait.ge [sflag:s23], $0x2000  }
0x57: {  	[sflag:s23] =	ssyncset.done $0x0  }
.Ltmp0:
0x58: {  	s29 =	sadd.s32 $0xC00, s29;
	[sflag:s23] =	ssyncadd.s32 $0xFFFFE000;
	(pc) =	sbr.rel @p0 .LBB2_2-.Ltmp0, $4  }
0x59: {  	[hbm4b:s29+s2] =	stream.linear.scatter [tilespmem:s19], [sflag:$0x5], $0x2000, $0x38;
	[tilespmem:$0x8C00] =	vst v63  }
0x5a: {  	_ =	swait.ge [sflag:s12], $0x2000  }
0x5b: {  	[sflag:s12] =	ssyncset.done $0x0  }
0x5c: {  	s28 =	sadd.s32 $0x100, s28;
	[sflag:s12] =	ssyncadd.s32 $0xFFFFE000  }
0x5d: {  	[tilespmem:s19], [sflag:$0x4] =	stream.indirect.gather [hbm4b:s3+s13], $0x80, s25, s13, $0xb8;
	[tilespmem:$0x8C00] =	vst v63  }
0x5e: {  	_ =	swait.ge [sflag:s20], $0x2000  }
0x5f: {  	[sflag:s20] =	ssyncset.done $0x0  }
0x60: {  	[sflag:s20] =	ssyncadd.s32 $0xFFFFE000  }
0x61: {  	[hbm4b:s5+s2] =	stream.linear.scatter [tilespmem:s14], [sflag:$0x5], $0x2000, $0x38;
	[tilespmem:$0x8C00] =	vst v63  }
0x62: {  	_ =	swait.ge [sflag:s12], $0x2000  }
0x63: {  	[sflag:s12] =	ssyncset.done $0x0  }
0x64: {  	[sflag:s12] =	ssyncadd.s32 $0xFFFFE000  }
0x65: {  	_ =	swait.ge [sflag:s21], $0x2000  }
0x66: {  	[sflag:s21] =	ssyncset.done $0x0  }
0x67: {  	[sflag:s21] =	ssyncadd.s32 $0xFFFFE000  }
0x68: {  	[hbm4b:s6+s2] =	stream.linear.scatter [tilespmem:s15], [sflag:$0x5], $0x2000, $0x38;
	[tilespmem:$0x8C00] =	vst v63  }
0x69: {  	_ =	swait.ge [sflag:s12], $0x2000  }
0x6a: {  	[sflag:s12] =	ssyncset.done $0x0  }
0x6b: {  	[sflag:s12] =	ssyncadd.s32 $0xFFFFE000  }
0x6c: {  	_ =	swait.ge [sflag:s22], $0x2000  }
0x6d: {  	[sflag:s22] =	ssyncset.done $0x0  }
0x6e: {  	[sflag:s22] =	ssyncadd.s32 $0xFFFFE000  }
0x6f: {  	[hbm4b:s7+s2] =	stream.linear.scatter [tilespmem:s17], [sflag:$0x5], $0x2000, $0x38;
	[tilespmem:$0x8C00] =	vst v63  }
0x70: {  	_ =	swait.ge [sflag:s12], $0x2000  }
0x71: {  	[sflag:s12] =	ssyncset.done $0x0  }
0x72: {  	[sflag:s12] =	ssyncadd.s32 $0xFFFFE000  }
0x73: {  	s24 =	sadd.s32 $0x1, s24;
	_ =	swait.ge [sflag:s23], $0x2000  }
0x74: {  	p0 =	sne.s32 s24, s9;
	[sflag:s23] =	ssyncset.done $0x0  }
.Ltmp1:
0x75: {  	[sflag:s23] =	ssyncadd.s32 $0xFFFFE000;
	(pc) =	sbr.rel @p0 .LBB2_1-.Ltmp1, $4  }
0x76: {  	[hbm4b:s8+s2] =	stream.linear.scatter [tilespmem:s19], [sflag:$0x5], $0x2000, $0x38;
	[tilespmem:$0x8C00] =	vst v63  }
0x77: {  	_ =	swait.ge [sflag:s12], $0x2000  }
0x78: {  	[sflag:s12] =	ssyncset.done $0x0  }
0x79: {  	[sflag:s12] =	ssyncadd.s32 $0xFFFFE000  }
0x7a: {  	_ =	sfence.sel $0x180000  }
0x7b: {  	[bflag:$0x0] =	sbarrier.arrive $0xFFFF  }
0x7c: {  	p0 =	sne.s32 s0, $0x0;
	_ =	strace $0x90000047  }
0x7d: {  	s0 =	sadd.s32 @!p0 $0x100000, s1;
	[bflag:$0x2] =	sbarrier.arrive $0xFFFF  }
0x7e: {  	[sflag:s0] =	ssyncadd.tile.s32 @!p0 $0x1;
	_ =	shalt  }
.Lfunc_end2:
_tile_overlayer_lowered:
.L_overlay_start_2:
0x7f: {  	(tag) =	ssettag $0x2  }
0x80: {  	s0 =	rddreg [dreg:$0x0];
	s2 =	stileid.u32  }
0x81: {  	s1 =	rddreg [dreg:$0x1];
	p0 =	sne.s32 s2, $0x0  }
0x82: {  	s3 =	rddreg [dreg:$0x2];
	[bflag:$0x3] =	sbarrier.arrive $0xFFFF;
	s2 =	simm.s32 @!p0 $0x1C05  }
0x83: {  	[timem:s3], [sflag:s2] =	dma.local @!p0 [hbm:s0], s1  }
0x84: {  	s0 =	simm.s32 @!p0 $0x5  }
0x85: {  	_ =	swait.ge @!p0 [sflag:s0], s1  }
0x86: {  	s1 =	ssub.s32 @!p0 $0x0, s1;
	[sflag:s0] =	ssyncset.done @!p0 $0x0  }
0x87: {  	[sflag:s0] =	ssyncadd.s32 @!p0 s1  }
0x88: {  	[bflag:$0x3] =	sbarrier.arrive $0xFFFF  }
0x89: {  	_ =	shalt  }

// kernel: kernel.15.cloned.1.call-start
scs
__scs_entry_jumppad:
0x0: {  	(pc) =	sbr.rel $0x88, $3  }
0x1: {  	(tag) =	ssettag $0x0;
	lr =	simm.s32 $0x1  }
0x2: {  	[smem:$0x3F94] =	sst lr;
	_ =	strace $0xD0000000  }
0x3: {  	_ = 	snop  }
0x4: {  	_ = 	snop  }
0x5: {  	_ = 	snop  }
0x6: {  	_ = 	snop  }
0x7: {  	_ = 	snop  }
__scs_overlays_trampoline_lowered:
0x8: {  	[smem:$0x3FA3] =	sst s0  }
0x9: {  	[smem:$0x3FA4] =	sst s1  }
0xa: {  	[smem:$0x3FA5] =	sst s2  }
0xb: {  	[smem:$0x3FA6] =	sst s3  }
0xc: {  	[smem:$0x3FA7] =	sst s4  }
0xd: {  	[smem:$0x3FA8] =	sst s5  }
0xe: {  	[smem:$0x3FA9] =	sst s6  }
0xf: {  	[smem:$0x3FAA] =	sst s7  }
0x10: {  	[smem:$0x3FAB] =	sst s8  }
0x11: {  	[smem:$0x3FAC] =	sst s9;
	s0 =	simm.s32 @!p0 $0x0  }
0x12: {  	s1 =	sld [smem:$0x3F92];
	s0 =	simm.s32 @p0 $0x1  }
0x13: {  	[smem:$0x3FAD] =	sst s0;
	s0 =	simm.s32 @!p1 $0x0  }
0x14: {  	s2 =	sld [smem:$0x3F91];
	s0 =	simm.s32 @p1 $0x1  }
0x15: {  	[smem:$0x3FAE] =	sst s0;
	s0 =	simm.s32 @!p2 $0x0  }
0x16: {  	s3 =	sld [smem:$0x3FDB];
	s0 =	simm.s32 @p2 $0x1  }
0x17: {  	s4 =	simm.s32 $0x1BF5;
	[smem:$0x3FB0] =	sst s0  }
0x18: {  	s0 =	sld [smem:$0x3F93];
	_ =	swait.ge [sflag:s4], $0x0  }
0x19: {  	s7 =	sld [smem:$0x3F94]  }
0x1a: {  	s8 =	sadd.s32 $0xFFFFE003, lr  }
0x1b: {  	s9 =	sadd.s32 $0xFFFFFEF7, lr;
	s5 =	simm.s32 $0xFFFFFFFF;
	p2 =	slt.u32 s8, $0xFFFFF086  }
0x1c: {  	p1 =	slt.u32 s9, $0xF7A;
	s5 =	simm.s32 @!p2 $0x0  }
0x1d: {  	s5 =	simm.s32 @p1 $0x1;
	p0 =	seq.s32 s7, s2  }
0x1e: {  	s7 =	smul.u32 @!p0 $0xF7A, s2;
	p2 =	seq.s32 @!p0 s5, $0x0  }
0x1f: {  	s9 =	smul.u32 $0xF7A, s1;
	s8 =	simm.s32 @!p0 $0x1BF5;
	p2 =	por !p2, p0  }
0x20: {  	[sflag:s8] =	ssyncset.s32 @!p0 $0xFFFFF086;
	s6 =	sadd.s32 @!p0 s3, s7;
	s7 =	simm.s32 @!p0 $0x108  }
0x21: {  	s3 =	sadd.s32 s3, s9;
	s6 =	sadd.s32 @!p0 $0x88, s6;
	s7 =	simm.s32 @p2 $0x1082  }
0x22: {  	[simem:s7], [sflag:s8] =	dma.local @!p0 [hbm:s6], $0xF7A  }
0x23: {  	s9 =	sor.u32 $0xD0000000, s2;
	s6 =	simm.s32 $0x108;
	_ =	swait.ge @!p0 [sflag:s8], $0x0  }
0x24: {  	s3 =	sadd.s32 $0x88, s3;
	s6 =	simm.s32 @!p1 $0x1082;
	[sflag:s4] =	ssyncset.s32 $0xFFFFF086  }
0x25: {  	[simem:s6], [sflag:s4] =	dma.local [hbm:s3], $0xF7A  }
0x26: {  	[smem:$0x3F94] =	sst s1;
	(tag) =	ssettag s2;
	_ =	strace s9  }
0x27: {  	s1 =	sld [smem:$0x3FA4]  }
0x28: {  	s2 =	sld [smem:$0x3FA5]  }
0x29: {  	s4 =	sld [smem:$0x3FA7]  }
0x2a: {  	p0 =	seq.s32 s5, $0x0;
	s5 =	sld [smem:$0x3FA8]  }
0x2b: {  	s6 =	sld [smem:$0x3FA9]  }
0x2c: {  	s7 =	sld [smem:$0x3FAA]  }
0x2d: {  	s3 =	simm.s32 $0x108;
	s8 =	sld [smem:$0x3FAB]  }
0x2e: {  	s3 =	simm.s32 @!p0 $0x1082;
	s9 =	sld [smem:$0x3FAC]  }
0x2f: {  	lr =	sadd.s32 s0, s3;
	s0 =	sld [smem:$0x3FA3]  }
0x30: {  	s3 =	sld [smem:$0x3FA6]  }
0x31: {  	[smem:$0x3FAF] =	sst s10  }
0x32: {  	s10 =	sld [smem:$0x3FAD];
	_ =	sdelay $0x3  }
0x33: {  	p0 =	seq.s32 s10, $0x1;
	s10 =	sld [smem:$0x3FAF];
	_ =	sdelay $0x3  }
0x34: {  	[smem:$0x3FAF] =	sst s10  }
0x35: {  	s10 =	sld [smem:$0x3FAE];
	_ =	sdelay $0x3  }
0x36: {  	p1 =	seq.s32 s10, $0x1;
	s10 =	sld [smem:$0x3FAF];
	_ =	sdelay $0x3  }
0x37: {  	[smem:$0x3FAF] =	sst s10  }
0x38: {  	s10 =	sld [smem:$0x3FB0]  }
0x39: {  	_ = 	snop;
	(pc) =	sbr.ind lr, $3  }
0x3a: {  	_ = 	snop  }
0x3b: {  	_ = 	snop  }
0x3c: {  	p2 =	seq.s32 s10, $0x1;
	s10 =	sld [smem:$0x3FAF]  }
0x3d: {  	_ =	shalt  }
0x3e: {  	_ =	shalt  }
0x3f: {  	_ =	shalt  }
0x40: {  	_ =	shalt  }
0x41: {  	_ =	shalt  }
0x42: {  	_ =	shalt  }
0x43: {  	_ =	shalt  }
0x44: {  	_ =	shalt  }
0x45: {  	_ =	shalt  }
0x46: {  	_ =	shalt  }
0x47: {  	_ =	shalt  }
0x48: {  	_ =	shalt  }
0x49: {  	_ =	shalt  }
0x4a: {  	_ =	shalt  }
0x4b: {  	_ =	shalt  }
0x4c: {  	_ =	shalt  }
0x4d: {  	_ =	shalt  }
0x4e: {  	_ =	shalt  }
0x4f: {  	_ =	shalt  }
0x50: {  	_ =	shalt  }
0x51: {  	_ =	shalt  }
0x52: {  	_ =	shalt  }
0x53: {  	_ =	shalt  }
0x54: {  	_ =	shalt  }
0x55: {  	_ =	shalt  }
0x56: {  	_ =	shalt  }
0x57: {  	_ =	shalt  }
0x58: {  	_ =	shalt  }
0x59: {  	_ =	shalt  }
0x5a: {  	_ =	shalt  }
0x5b: {  	_ =	shalt  }
0x5c: {  	_ =	shalt  }
0x5d: {  	_ =	shalt  }
0x5e: {  	_ =	shalt  }
0x5f: {  	_ =	shalt  }
0x60: {  	_ =	shalt  }
0x61: {  	_ =	shalt  }
0x62: {  	_ =	shalt  }
0x63: {  	_ =	shalt  }
0x64: {  	_ =	shalt  }
0x65: {  	_ =	shalt  }
0x66: {  	_ =	shalt  }
0x67: {  	_ =	shalt  }
0x68: {  	_ =	shalt  }
0x69: {  	_ =	shalt  }
0x6a: {  	_ =	shalt  }
0x6b: {  	_ =	shalt  }
0x6c: {  	_ =	shalt  }
0x6d: {  	_ =	shalt  }
0x6e: {  	_ =	shalt  }
0x6f: {  	_ =	shalt  }
0x70: {  	_ =	shalt  }
0x71: {  	_ =	shalt  }
0x72: {  	_ =	shalt  }
0x73: {  	_ =	shalt  }
0x74: {  	_ =	shalt  }
0x75: {  	_ =	shalt  }
0x76: {  	_ =	shalt  }
0x77: {  	_ =	shalt  }
0x78: {  	_ =	shalt  }
0x79: {  	_ =	shalt  }
0x7a: {  	_ =	shalt  }
0x7b: {  	_ =	shalt  }
0x7c: {  	_ =	shalt  }
0x7d: {  	_ =	shalt  }
0x7e: {  	_ =	shalt  }
0x7f: {  	_ =	shalt  }
0x80: {  	_ =	shalt  }
0x81: {  	_ =	shalt  }
0x82: {  	_ =	shalt  }
0x83: {  	_ =	shalt  }
0x84: {  	_ =	shalt  }
0x85: {  	_ =	shalt  }
0x86: {  	_ =	shalt  }
0x87: {  	_ =	shalt  }
.Lfunc_end0:
.L_simem_size_0:
called_computation.1_lowered:
.L_overlay_start_0:
0x88: {  	s2 =	sld [smem:$0x3FD9]  }
0x89: {  	s3 =	sld [smem:$0x3FFE];
	_ =	sdelay $0x1  }
0x8a: {  	s1 =	srdreg.scid  }
0x8b: {  	s0 =	sand.u32 $0x1, s1  }
0x8c: {  	s15 =	sshll.u32 s0, $0xA;
	s2 =	sadd.s32 s3, s2  }
0x8d: {  	s2 =	sadd.s32 s2, s15  }
0x8e: {  	[smem:$0x3FBB] =	sst s2  }
0x8f: {  	_ = 	snop  }
0x90: {  	s2 =	sld [smem:$0x3FD0];
	_ =	sdelay $0x2  }
0x91: {  	s16 =	simm.s32 $0xB;
	s4 =	simm.s32 $0x10  }
0x92: {  	[smem:s4], [sflag:s16] =	dma.local [hbm:s2], $0x1  }
0x93: {  	_ =	swait.eq [sflag:s16], $0x1  }
0x94: {  	[sflag:s16] =	ssyncset.done $0x0  }
0x95: {  	[sflag:s16] =	ssyncadd.s32 $0xFFFFFFFF  }
0x96: {  	s17 =	sld [smem:$0x11];
	(tm) =	ssettm $0x1  }
0x97: {  	s18 =	sld [smem:$0x3FFB];
	_ =	sdelay $0x3  }
0x98: {  	_ =	strace s18  }
0x99: {  	s2 =	sld [smem:$0x3FFC];
	_ =	sdelay $0x3  }
0x9a: {  	_ =	strace s2  }
0x9b: {  	s2 =	sld [smem:$0x3FFD];
	_ =	sdelay $0x3  }
0x9c: {  	_ =	strace s2  }
0x9d: {  	_ =	strace $0x8FFFFFFF  }
0x9e: {  	s19 =	sld [smem:$0x3FDB];
	_ =	sdelay $0x1  }
0x9f: {  	s20 =	simm.s32 $_scs_section_size  }
0xa0: {  	s5 =	simm.s32 $_size__tile_overlayer_lowered;
	s6 =	simm.s32 $_tile_overlayer_lowered  }
0xa1: {  	s7 =	simm.s32 $0x1BFF;
	s21 =	sshll.u32 s6, $0x1;
	s4 =	sadd.s32 s20, s19  }
0xa2: {  	s22 =	simm.s32 $0x0;
	s5 =	sshll.u32 s5, $0x1;
	s6 =	sadd.s32 s21, s4  }
0xa3: {  	[timem:s22], [sflag:s7] =	dma.local [hbm:s6], s5  }
0xa4: {  	_ =	swait.ge [sflag:s7], s5  }
0xa5: {  	s5 =	ssub.s32 $0x0, s5;
	[sflag:s7] =	ssyncset.done $0x0  }
0xa6: {  	[sflag:s7] =	ssyncadd.s32 s5;
	_ =	sdelay $0x1  }
0xa7: {  	s23 =	simm.s32 $0x1B8B  }
0xa8: {  	_ =	swait.ge [sflag:s23], $0x1  }
0xa9: {  	[sflag:s23] =	ssyncset.done $0x0  }
0xaa: {  	[sflag:s23] =	ssyncadd.s32 $0xFFFFFFFF  }
0xab: {  	s5 =	sld [smem:$0x0]  }
0xac: {  	s6 =	sand.u32 $0xFFFFFFFE, s1  }
0xad: {  	p0 =	sne.s32 s1, s6  }
0xae: {  	s6 =	sshll.u32 @p0 s6, $0xE  }
0xaf: {  	s6 =	sadd.s32 @p0 $0x11B8D, s6;
	s7 =	sshll.u32 @p0 s5, $0x11  }
0xb0: {  	s6 =	sor.u32 @p0 s7, s6  }
0xb1: {  	[sflag:s6] =	ssyncadd.remote.s32 @p0 $0x1;
	_ =	sdelay $0x1  }
0xb2: {  	s6 =	simm.s32 @p0 $0x1B8D  }
0xb3: {  	_ =	swait.eq @p0 [sflag:s6], $0x1  }
0xb4: {  	[sflag:s6] =	ssyncadd.s32 @p0 $0xFFFFFFFF  }
0xb5: {  	s7 =	sshll.u32 @!p0 s1, $0xE  }
0xb6: {  	s7 =	sor.u32 @!p0 $0x4000, s7;
	s6 =	simm.s32 @!p0 $0x1B8D  }
0xb7: {  	s5 =	sshll.u32 @!p0 s5, $0x11;
	s7 =	sadd.s32 @!p0 $0x11B8D, s7;
	_ =	swait.eq @!p0 [sflag:s6], $0x1  }
0xb8: {  	s5 =	sor.u32 @!p0 s5, s7;
	[sflag:s6] =	ssyncadd.s32 @!p0 $0xFFFFFFFF  }
0xb9: {  	s25 =	simm.s32 $0x1B8E;
	s24 =	sld [smem:$0x3FFE];
	[sflag:s5] =	ssyncadd.remote.s32 @!p0 $0x1  }
0xba: {  	s26 =	simm.s32 $execute0_lowered;
	[smem:$0x3FD2] =	sst s25  }
0xbb: {  	s6 =	sshll.u32 s26, $0x1;
	_ =	strace $0x80000049;
	[dreg:$0x1] =	wrdreg $0xFFFFFFFF  }
0xbc: {  	s28 =	simm.s32 $_size_execute0_lowered;
	s4 =	sadd.s32 s4, s6;
	[dreg:$0x0] =	wrdreg $0x0  }
0xbd: {  	s6 =	sshll.u32 s28, $0x1;
	[dreg:$0x2] =	wrdreg s4  }
0xbe: {  	[dreg:$0x3] =	wrdreg s6  }
0xbf: {  	[dreg:$0x4] =	wrdreg $0xC0  }
0xc0: {  	_ =	task [dreg:s22], $0x5FFFF  }
0xc1: {  	[dreg:$0x1] =	wrdreg $0xFFFFFFFF  }
0xc2: {  	[dreg:$0x0] =	wrdreg $0x60  }
0xc3: {  	[dreg:$0x2] =	wrdreg s24  }
0xc4: {  	[dreg:$0x3] =	wrdreg s17  }
0xc5: {  	[dreg:$0x4] =	wrdreg $0xA  }
0xc6: {  	_ =	task.clear_ibuf [dreg:s22], $0x5FFFF;
	_ =	strace $0x90000049  }
0xc7: {  	s29 =	simm.s32 $0xA;
	_ =	strace $0x8000004B  }
0xc8: {  	_ =	swait.ge [sflag:s29], $0x1  }
0xc9: {  	[sflag:s29] =	ssyncadd.s32 $0xFFFFFFFF  }
0xca: {  	_ =	strace $0x9000004B  }
0xcb: {  	_ =	sfence  }
0xcc: {  	s30 =	sld [smem:$0x0];
	_ =	sdelay $0x2  }
0xcd: {  	s31 =	sshll.u32 s1, $0xD;
	s1 =	sshrl.u32 s1, $0x2  }
0xce: {  	s4 =	sand.u32 $0x4000, s31;
	s1 =	sadd.s32 s1, s30  }
0xcf: {  	s0 =	sor.u32 s4, s0;
	s1 =	sshll.u32 s1, $0x11  }
0xd0: {  	s0 =	sor.u32 s1, s0  }
0xd1: {  	s0 =	sadd.s32 $0x8F2B, s0  }
0xd2: {  	[sflag:s0] =	ssyncadd.remote.s32 $0x1  }
0xd3: {  	_ =	sfence.sel $0xFFFF  }
0xd4: {  	[dreg:$0x0] =	wrdreg $0xFFFFFFFF;
	(pc) =	sbr.abs _section_cstart, $3  }
0xd5: {  	[dreg:$0x1] =	wrdreg $0xFFFFFFFF  }
0xd6: {  	_ =	task.clear_ibuf [dreg:s22], $0x2FFFF;
	_ =	strace $0x9FFFFFFF  }
0xd7: {  	(tm) =	ssettm $0x7FFFFFFF  }
tec
execute0_lowered:
.L_overlay_start_1:
0x0: {  	(tag) =	ssettag $0x1  }
0x1: {  	s4 =	rddreg [dreg:$0x0]  }
0x2: {  	s5 =	rddreg [dreg:$0x1];
	s3 =	srdreg.scid  }
0x3: {  	s1 =	stileid.u32;
	s2 =	simm.s32 $0x0;
	s13 =	simm.s32 $0x40  }
0x4: {  	s14 =	simm.s32 $0xC80;
	s15 =	simm.s32 $0x2C80;
	s16 =	simm.s32 $0x80  }
0x5: {  	s17 =	simm.s32 $0x4C80;
	s18 =	simm.s32 $0xC0;
	s19 =	simm.s32 $0x6C80  }
0x6: {  	s20 =	simm.s32 $0x100;
	s21 =	simm.s32 $0x8C80;
	s22 =	simm.s32 $0x1  }
0x7: {  	s23 =	simm.s32 $0x2;
	s24 =	simm.s32 $0x3;
	s25 =	simm.s32 $0x4  }
0x8: {  	s26 =	simm.s32 $0x5;
	s6 =	sand.u32 $0x1, s3;
	s29 =	sshll.u32 s1, $0x1  }
0x9: {  	s28 =	simm.s32 $0x0;
	s31 =	smul.u32 $0x19000, s1;
	s7 =	sor.u32 s6, s29  }
0xa: {  	[smem:$0x7FF] =	sst s2;
	s3 =	sadd.s32 $0x12A00, s4;
	s9 =	smul.u32 $0x64000, s7  }
0xb: {  	s11 =	sadd.s32 $0x2D1600, s4;
	s8 =	ssub.s32 $0x2, s6;
	s7 =	smul.u32 $0xC80, s7  }
0xc: {  	_ =	strace $0x8000004A;
	s12 =	smul.u32 $0xC800, s6;
	s10 =	sshrl.u32 s8, $0x1  }
0xd: {  	s10 =	ssub.s32 s8, s10;
	s30 =	sshrl.u32 s9, $0x3;
	s7 =	sshrl.u32 s7, $0x3  }
0xe: {  	s10 =	smax.u32 s10, $0x1;
	s9 =	sadd.s32 s11, s30;
	s4 =	sadd.s32 s5, s7  }
0xf: {  	s11 =	sadd.s32 s31, s11;
	s5 =	sadd.s32 $0xB400, s9;
	s6 =	sadd.s32 $0xB800, s9  }
0x10: {  	s7 =	sadd.s32 $0xBC00, s9;
	s8 =	sadd.s32 $0xC000, s9;
	s11 =	sadd.s32 s12, s11  }
0x11: {  	s9 =	sadd.s32 $0xC400, s9;
	s12 =	simm.s32 $0x6;
	s11 =	sadd.s32 $0x1000, s11  }
.LBB2_1:
0x12: {  	[tilespmem:s2], [sflag:$0x6] =	stream.linear.gather [hbm4b:s4+s2], $0xC80, $0x38;
	[tilespmem:$0xAC80] =	vst v63  }
0x13: {  	_ =	swait.ge [sflag:s12], $0xC80  }
0x14: {  	[sflag:s12] =	ssyncset.done $0x0  }
0x15: {  	[sflag:s12] =	ssyncadd.s32 $0xFFFFF380  }
0x16: {  	[tilespmem:s14], [sflag:$0x1] =	stream.indirect.gather [hbm4b:s3+s13], $0x80, s2, s13, $0xb8;
	[tilespmem:$0xAC80] =	vst v63  }
0x17: {  	_ = 	snop  }
0x18: {  	[tilespmem:s15], [sflag:$0x2] =	stream.indirect.gather [hbm4b:s3+s13], $0x80, s13, s13, $0xb8;
	[tilespmem:$0xAC80] =	vst v63  }
0x19: {  	_ = 	snop  }
0x1a: {  	[tilespmem:s17], [sflag:$0x3] =	stream.indirect.gather [hbm4b:s3+s13], $0x80, s16, s13, $0xb8;
	[tilespmem:$0xAC80] =	vst v63  }
0x1b: {  	_ = 	snop  }
0x1c: {  	[tilespmem:s19], [sflag:$0x4] =	stream.indirect.gather [hbm4b:s3+s13], $0x80, s18, s13, $0xb8;
	[tilespmem:$0xAC80] =	vst v63  }
0x1d: {  	_ = 	snop  }
0x1e: {  	[tilespmem:s21], [sflag:$0x5] =	stream.indirect.gather [hbm4b:s3+s13], $0x80, s20, s13, $0xb8;
	[tilespmem:$0xAC80] =	vst v63  }
0x1f: {  	_ =	swait.ge [sflag:s22], $0x2000  }
0x20: {  	[sflag:s22] =	ssyncset.done $0x0  }
0x21: {  	s29 =	sadd.s32 $0xFFFFF000, s11;
	[sflag:s22] =	ssyncadd.s32 $0xFFFFE000  }
0x22: {  	[hbm4b:s29+s2] =	stream.linear.scatter [tilespmem:s14], [sflag:$0x6], $0x2000, $0x38;
	[tilespmem:$0xAC80] =	vst v63  }
0x23: {  	_ =	swait.ge [sflag:s12], $0x2000  }
0x24: {  	[sflag:s12] =	ssyncset.done $0x0  }
0x25: {  	s29 =	simm.s32 $0x140;
	[sflag:s12] =	ssyncadd.s32 $0xFFFFE000  }
0x26: {  	[tilespmem:s14], [sflag:$0x1] =	stream.indirect.gather [hbm4b:s3+s13], $0x80, s29, s13, $0xb8;
	[tilespmem:$0xAC80] =	vst v63  }
0x27: {  	_ =	swait.ge [sflag:s23], $0x2000  }
0x28: {  	[sflag:s23] =	ssyncset.done $0x0  }
0x29: {  	s29 =	sadd.s32 $0xFFFFF400, s11;
	[sflag:s23] =	ssyncadd.s32 $0xFFFFE000  }
0x2a: {  	[hbm4b:s29+s2] =	stream.linear.scatter [tilespmem:s15], [sflag:$0x6], $0x2000, $0x38;
	[tilespmem:$0xAC80] =	vst v63  }
0x2b: {  	_ =	swait.ge [sflag:s12], $0x2000  }
0x2c: {  	[sflag:s12] =	ssyncset.done $0x0  }
0x2d: {  	s29 =	simm.s32 $0x180;
	[sflag:s12] =	ssyncadd.s32 $0xFFFFE000  }
0x2e: {  	[tilespmem:s15], [sflag:$0x2] =	stream.indirect.gather [hbm4b:s3+s13], $0x80, s29, s13, $0xb8;
	[tilespmem:$0xAC80] =	vst v63  }
0x2f: {  	_ =	swait.ge [sflag:s24], $0x2000  }
0x30: {  	[sflag:s24] =	ssyncset.done $0x0  }
0x31: {  	s29 =	sadd.s32 $0xFFFFF800, s11;
	[sflag:s24] =	ssyncadd.s32 $0xFFFFE000  }
0x32: {  	[hbm4b:s29+s2] =	stream.linear.scatter [tilespmem:s17], [sflag:$0x6], $0x2000, $0x38;
	[tilespmem:$0xAC80] =	vst v63  }
0x33: {  	_ =	swait.ge [sflag:s12], $0x2000  }
0x34: {  	[sflag:s12] =	ssyncset.done $0x0  }
0x35: {  	s29 =	simm.s32 $0x1C0;
	[sflag:s12] =	ssyncadd.s32 $0xFFFFE000  }
0x36: {  	[tilespmem:s17], [sflag:$0x3] =	stream.indirect.gather [hbm4b:s3+s13], $0x80, s29, s13, $0xb8;
	[tilespmem:$0xAC80] =	vst v63  }
0x37: {  	_ =	swait.ge [sflag:s25], $0x2000  }
0x38: {  	[sflag:s25] =	ssyncset.done $0x0  }
0x39: {  	s29 =	sadd.s32 $0xFFFFFC00, s11;
	[sflag:s25] =	ssyncadd.s32 $0xFFFFE000  }
0x3a: {  	[hbm4b:s29+s2] =	stream.linear.scatter [tilespmem:s19], [sflag:$0x6], $0x2000, $0x38;
	[tilespmem:$0xAC80] =	vst v63  }
0x3b: {  	_ =	swait.ge [sflag:s12], $0x2000  }
0x3c: {  	[sflag:s12] =	ssyncset.done $0x0  }
0x3d: {  	s29 =	simm.s32 $0x200;
	[sflag:s12] =	ssyncadd.s32 $0xFFFFE000  }
0x3e: {  	[tilespmem:s19], [sflag:$0x4] =	stream.indirect.gather [hbm4b:s3+s13], $0x80, s29, s13, $0xb8;
	[tilespmem:$0xAC80] =	vst v63  }
0x3f: {  	_ =	swait.ge [sflag:s26], $0x2000  }
0x40: {  	[sflag:s26] =	ssyncset.done $0x0  }
0x41: {  	[sflag:s26] =	ssyncadd.s32 $0xFFFFE000  }
0x42: {  	[hbm4b:s11+s2] =	stream.linear.scatter [tilespmem:s21], [sflag:$0x6], $0x2000, $0x38;
	[tilespmem:$0xAC80] =	vst v63  }
0x43: {  	_ =	swait.ge [sflag:s12], $0x2000  }
0x44: {  	s31 =	simm.s32 $0x240;
	[sflag:s12] =	ssyncset.done $0x0  }
0x45: {  	s30 =	sadd.s32 $0x1400, s11;
	s29 =	simm.s32 $0x500;
	[sflag:s12] =	ssyncadd.s32 $0xFFFFE000  }
.LBB2_2:
0x46: {  	[tilespmem:s21], [sflag:$0x5] =	stream.indirect.gather [hbm4b:s3+s13], $0x80, s31, s13, $0xb8;
	[tilespmem:$0xAC80] =	vst v63  }
0x47: {  	s31 =	smov.u32 s29  }
0x48: {  	p0 =	sne.s32 s29, $0x2800;
	s29 =	sadd.s32 $0x500, s29;
	_ =	swait.ge [sflag:s22], $0x2000  }
0x49: {  	[sflag:s22] =	ssyncset.done $0x0  }
0x4a: {  	s0 =	sadd.s32 $0xFFFFF000, s30;
	[sflag:s22] =	ssyncadd.s32 $0xFFFFE000  }
0x4b: {  	[hbm4b:s0+s2] =	stream.linear.scatter [tilespmem:s14], [sflag:$0x6], $0x2000, $0x38;
	[tilespmem:$0xAC80] =	vst v63  }
0x4c: {  	_ =	swait.ge [sflag:s12], $0x2000  }
0x4d: {  	s31 =	sshra.s32 s31, $0x2;
	[sflag:s12] =	ssyncset.done $0x0  }
0x4e: {  	s0 =	sadd.s32 $0x140, s31;
	[sflag:s12] =	ssyncadd.s32 $0xFFFFE000  }
0x4f: {  	[tilespmem:s14], [sflag:$0x1] =	stream.indirect.gather [hbm4b:s3+s13], $0x80, s0, s13, $0xb8;
	[tilespmem:$0xAC80] =	vst v63  }
0x50: {  	_ =	swait.ge [sflag:s23], $0x2000  }
0x51: {  	[sflag:s23] =	ssyncset.done $0x0  }
0x52: {  	s0 =	sadd.s32 $0xFFFFF400, s30;
	[sflag:s23] =	ssyncadd.s32 $0xFFFFE000  }
0x53: {  	[hbm4b:s0+s2] =	stream.linear.scatter [tilespmem:s15], [sflag:$0x6], $0x2000, $0x38;
	[tilespmem:$0xAC80] =	vst v63  }
0x54: {  	_ =	swait.ge [sflag:s12], $0x2000  }
0x55: {  	[sflag:s12] =	ssyncset.done $0x0  }
0x56: {  	s0 =	sadd.s32 $0x180, s31;
	[sflag:s12] =	ssyncadd.s32 $0xFFFFE000  }
0x57: {  	[tilespmem:s15], [sflag:$0x2] =	stream.indirect.gather [hbm4b:s3+s13], $0x80, s0, s13, $0xb8;
	[tilespmem:$0xAC80] =	vst v63  }
0x58: {  	_ =	swait.ge [sflag:s24], $0x2000  }
0x59: {  	[sflag:s24] =	ssyncset.done $0x0  }
0x5a: {  	s0 =	sadd.s32 $0xFFFFF800, s30;
	[sflag:s24] =	ssyncadd.s32 $0xFFFFE000  }
0x5b: {  	[hbm4b:s0+s2] =	stream.linear.scatter [tilespmem:s17], [sflag:$0x6], $0x2000, $0x38;
	[tilespmem:$0xAC80] =	vst v63  }
0x5c: {  	_ =	swait.ge [sflag:s12], $0x2000  }
0x5d: {  	[sflag:s12] =	ssyncset.done $0x0  }
0x5e: {  	s0 =	sadd.s32 $0x1C0, s31;
	[sflag:s12] =	ssyncadd.s32 $0xFFFFE000  }
0x5f: {  	[tilespmem:s17], [sflag:$0x3] =	stream.indirect.gather [hbm4b:s3+s13], $0x80, s0, s13, $0xb8;
	[tilespmem:$0xAC80] =	vst v63  }
0x60: {  	_ =	swait.ge [sflag:s25], $0x2000  }
0x61: {  	[sflag:s25] =	ssyncset.done $0x0  }
0x62: {  	s0 =	sadd.s32 $0xFFFFFC00, s30;
	[sflag:s25] =	ssyncadd.s32 $0xFFFFE000  }
0x63: {  	[hbm4b:s0+s2] =	stream.linear.scatter [tilespmem:s19], [sflag:$0x6], $0x2000, $0x38;
	[tilespmem:$0xAC80] =	vst v63  }
0x64: {  	_ =	swait.ge [sflag:s12], $0x2000  }
0x65: {  	[sflag:s12] =	ssyncset.done $0x0  }
0x66: {  	s0 =	sadd.s32 $0x200, s31;
	[sflag:s12] =	ssyncadd.s32 $0xFFFFE000  }
0x67: {  	[tilespmem:s19], [sflag:$0x4] =	stream.indirect.gather [hbm4b:s3+s13], $0x80, s0, s13, $0xb8;
	[tilespmem:$0xAC80] =	vst v63  }
0x68: {  	_ =	swait.ge [sflag:s26], $0x2000  }
0x69: {  	[sflag:s26] =	ssyncset.done $0x0  }
.Ltmp0:
0x6a: {  	[sflag:s26] =	ssyncadd.s32 $0xFFFFE000;
	(pc) =	sbr.rel @p0 .LBB2_2-.Ltmp0, $4  }
0x6b: {  	[hbm4b:s30+s2] =	stream.linear.scatter [tilespmem:s21], [sflag:$0x6], $0x2000, $0x38;
	[tilespmem:$0xAC80] =	vst v63  }
0x6c: {  	_ =	swait.ge [sflag:s12], $0x2000  }
0x6d: {  	[sflag:s12] =	ssyncset.done $0x0  }
0x6e: {  	s31 =	sadd.s32 $0x240, s31;
	s30 =	sadd.s32 $0x1400, s30;
	[sflag:s12] =	ssyncadd.s32 $0xFFFFE000  }
0x6f: {  	[tilespmem:s21], [sflag:$0x5] =	stream.indirect.gather [hbm4b:s3+s13], $0x80, s31, s13, $0xb8;
	[tilespmem:$0xAC80] =	vst v63  }
0x70: {  	_ =	swait.ge [sflag:s22], $0x2000  }
0x71: {  	[sflag:s22] =	ssyncset.done $0x0  }
0x72: {  	[sflag:s22] =	ssyncadd.s32 $0xFFFFE000  }
0x73: {  	[hbm4b:s5+s2] =	stream.linear.scatter [tilespmem:s14], [sflag:$0x6], $0x2000, $0x38;
	[tilespmem:$0xAC80] =	vst v63  }
0x74: {  	_ =	swait.ge [sflag:s12], $0x2000  }
0x75: {  	[sflag:s12] =	ssyncset.done $0x0  }
0x76: {  	[sflag:s12] =	ssyncadd.s32 $0xFFFFE000  }
0x77: {  	_ =	swait.ge [sflag:s23], $0x2000  }
0x78: {  	[sflag:s23] =	ssyncset.done $0x0  }
0x79: {  	[sflag:s23] =	ssyncadd.s32 $0xFFFFE000  }
0x7a: {  	[hbm4b:s6+s2] =	stream.linear.scatter [tilespmem:s15], [sflag:$0x6], $0x2000, $0x38;
	[tilespmem:$0xAC80] =	vst v63  }
0x7b: {  	_ =	swait.ge [sflag:s12], $0x2000  }
0x7c: {  	[sflag:s12] =	ssyncset.done $0x0  }
0x7d: {  	[sflag:s12] =	ssyncadd.s32 $0xFFFFE000  }
0x7e: {  	_ =	swait.ge [sflag:s24], $0x2000  }
0x7f: {  	[sflag:s24] =	ssyncset.done $0x0  }
0x80: {  	[sflag:s24] =	ssyncadd.s32 $0xFFFFE000  }
0x81: {  	[hbm4b:s7+s2] =	stream.linear.scatter [tilespmem:s17], [sflag:$0x6], $0x2000, $0x38;
	[tilespmem:$0xAC80] =	vst v63  }
0x82: {  	_ =	swait.ge [sflag:s12], $0x2000  }
0x83: {  	[sflag:s12] =	ssyncset.done $0x0  }
0x84: {  	[sflag:s12] =	ssyncadd.s32 $0xFFFFE000  }
0x85: {  	_ =	swait.ge [sflag:s25], $0x2000  }
0x86: {  	[sflag:s25] =	ssyncset.done $0x0  }
0x87: {  	[sflag:s25] =	ssyncadd.s32 $0xFFFFE000  }
0x88: {  	[hbm4b:s8+s2] =	stream.linear.scatter [tilespmem:s19], [sflag:$0x6], $0x2000, $0x38;
	[tilespmem:$0xAC80] =	vst v63  }
0x89: {  	_ =	swait.ge [sflag:s12], $0x2000  }
0x8a: {  	[sflag:s12] =	ssyncset.done $0x0  }
0x8b: {  	[sflag:s12] =	ssyncadd.s32 $0xFFFFE000  }
0x8c: {  	s28 =	sadd.s32 $0x1, s28;
	_ =	swait.ge [sflag:s26], $0x2000  }
0x8d: {  	p0 =	sne.s32 s28, s10;
	[sflag:s26] =	ssyncset.done $0x0  }
.Ltmp1:
0x8e: {  	[sflag:s26] =	ssyncadd.s32 $0xFFFFE000;
	(pc) =	sbr.rel @p0 .LBB2_1-.Ltmp1, $4  }
0x8f: {  	[hbm4b:s9+s2] =	stream.linear.scatter [tilespmem:s21], [sflag:$0x6], $0x2000, $0x38;
	[tilespmem:$0xAC80] =	vst v63  }
0x90: {  	_ =	swait.ge [sflag:s12], $0x2000  }
0x91: {  	[sflag:s12] =	ssyncset.done $0x0  }
0x92: {  	[sflag:s12] =	ssyncadd.s32 $0xFFFFE000  }
0x93: {  	_ =	sfence.sel $0x180000  }
0x94: {  	[bflag:$0x0] =	sbarrier.arrive $0xFFFF  }
0x95: {  	_ =	strace $0x9000004A  }
0x96: {  	[bflag:$0x2] =	sbarrier.arrive $0xFFFF  }
0x97: {  	p0 =	sne.s32 s1, $0x0;
	s0 =	rddreg [dreg:$0x2]  }
0x98: {  	s0 =	sadd.s32 @!p0 $0x100000, s0  }
0x99: {  	[sflag:s0] =	ssyncadd.tile.s32 @!p0 $0x1;
	_ =	shalt  }
.Lfunc_end2:
_tile_overlayer_lowered:
.L_overlay_start_2:
0x9a: {  	(tag) =	ssettag $0x2  }
0x9b: {  	s0 =	rddreg [dreg:$0x0];
	s2 =	stileid.u32  }
0x9c: {  	s1 =	rddreg [dreg:$0x1];
	p0 =	sne.s32 s2, $0x0  }
0x9d: {  	s3 =	rddreg [dreg:$0x2];
	[bflag:$0x3] =	sbarrier.arrive $0xFFFF;
	s2 =	simm.s32 @!p0 $0x1C06  }
0x9e: {  	[timem:s3], [sflag:s2] =	dma.local @!p0 [hbm:s0], s1  }
0x9f: {  	s0 =	simm.s32 @!p0 $0x6  }
0xa0: {  	_ =	swait.ge @!p0 [sflag:s0], s1  }
0xa1: {  	s1 =	ssub.s32 @!p0 $0x0, s1;
	[sflag:s0] =	ssyncset.done @!p0 $0x0  }
0xa2: {  	[sflag:s0] =	ssyncadd.s32 @!p0 s1  }
0xa3: {  	[bflag:$0x3] =	sbarrier.arrive $0xFFFF  }
0xa4: {  	_ =	shalt  }

</sc_bundles>
